<compile_context>
chip_gen: v7x
topology: tpu7x:2x2x1
jax: 0.10.2.dev20260603
libtpu: 0.0.44.dev20260713+nightly
codegen_flags: <defaults>
</compile_context>

<pallas_src>
import functools

import jax
import jax.numpy as jnp
from jax import lax
from jax.experimental import pallas as pl
from jax.experimental.pallas import tpu as pltpu
from jax.experimental.pallas import tpu_sc as plsc

HEADS = 4
EMB = 128
HE = HEADS * EMB
CHUNK = 128


def _leaky(x):
    return jnp.where(x >= 0, x, 0.2 * x)


def _sc_attr_sums(edge_attr):
    e, edim = edge_attr.shape
    rows_per = e // 32
    mesh = plsc.VectorSubcoreMesh(core_axis_name="c", subcore_axis_name="s",
                                  num_cores=2)
    zeros = jnp.zeros((16, edim), jnp.float32)
    chunk = 1000
    nsteps = rows_per // chunk
    assert rows_per % chunk == 0 and chunk % 8 == 0

    @functools.partial(
        pl.kernel, mesh=mesh,
        out_type=jax.ShapeDtypeStruct((2, 16, edim), jnp.float32),
        scratch_types=[
            pltpu.VMEM((chunk, edim), jnp.float32),
            pltpu.VMEM((chunk,), jnp.int32),
            pltpu.VMEM_SHARED((16, edim), jnp.float32),
        ],
    )
    def k(ea_hbm, z_hbm, out_hbm, slab_v, idx_v, acc_sh):
        c = lax.axis_index("c")
        s_id = lax.axis_index("s")
        wid = s_id * 2 + c

        def fill(i, _):
            idx_v[pl.ds(i * 16, 16)] = jnp.full((16,), s_id, jnp.int32)
            return 0

        lax.fori_loop(0, chunk // 16, fill, 0)
        if chunk % 16:
            idx_v[pl.ds(chunk - 16, 16)] = jnp.full((16,), s_id, jnp.int32)

        @pl.when(s_id == 0)
        def _():
            pltpu.sync_copy(z_hbm, acc_sh)

        plsc.subcore_barrier()

        def step(t, _):
            base = pl.multiple_of(wid * rows_per + t * chunk, 8)
            pltpu.sync_copy(ea_hbm.at[pl.ds(base, chunk), :], slab_v)
            pltpu.sync_copy(slab_v, acc_sh.at[idx_v], add=True)
            return 0

        lax.fori_loop(0, nsteps, step, 0)
        plsc.subcore_barrier()

        @pl.when(s_id == 0)
        def _():
            pltpu.sync_copy(acc_sh, out_hbm.at[c])

    return k(edge_attr, zeros)


def _body(scsum_ref, ea_any, dst_ref, src_ref, nf_ref,
          w_enc_ref, b_enc_ref, w_l_ref, b_l_ref, w_r_ref, b_r_ref,
          w_e_ref, att_ref, g_ref, r_ref, h_ref, bias_ref,
          out_ref, gbuf_ref, earow_ref, jbuf_ref, sbuf_ref, sem,
          *, n_edges, edim):
    g = pl.program_id(0)
    ng = pl.num_programs(0)
    f32 = jnp.float32

    def dot(a, b):
        return jax.lax.dot_general(a, b, (((1,), (0,)), ((), ())),
                                   precision=jax.lax.Precision.HIGHEST,
                                   preferred_element_type=f32)

    @pl.when(g == ng - 1)
    def _():
        dst = dst_ref[...]
        mask = dst == 0
        cnt = jnp.sum(mask.astype(jnp.int32))
        pos = (jax.lax.broadcasted_iota(jnp.int32, dst.shape, 0) * 128
               + jax.lax.broadcasted_iota(jnp.int32, dst.shape, 1))
        big = jnp.int32(2 ** 30)
        posm = jnp.where(mask, pos, big)
        lane128 = jax.lax.broadcasted_iota(jnp.int32, (1, 128), 1)

        w_enc = w_enc_ref[...]
        b_enc = b_enc_ref[...]
        w_l = w_l_ref[...]
        b_l = b_l_ref[...]
        att512 = att_ref[...]
        gmat = g_ref[...]
        rmat = r_ref[...]

        def logits512(mvec):
            return dot(dot(mvec * att512, gmat), rmat)

        x0 = jnp.maximum(dot(nf_ref[0:1, :], w_enc) + b_enc, 0.0)
        xr0 = dot(x0, w_r_ref[...]) + b_r_ref[...]
        xl0 = dot(x0, w_l) + b_l

        asum = jnp.sum(scsum_ref[...].reshape(32, edim), axis=0,
                       keepdims=True)
        e_self = dot(asum * (1.0 / n_edges), w_e_ref[...])

        lz = logits512(_leaky(xl0 + xr0 + e_self))
        m512 = lz
        s512 = jnp.ones((1, HE), f32)
        acc = xl0

        gbuf_ref[...] = jnp.zeros_like(gbuf_ref)
        earow_ref[...] = jnp.zeros_like(earow_ref)

        nchunks = (cnt + CHUNK - 1) // CHUNK

        def chunk_body(c, carry):
            last, m512, s512, acc = carry
            valid = jnp.minimum(cnt - c * CHUNK, CHUNK)

            def ex_body(i, last):
                j = jnp.min(jnp.where(posm > last, posm, big))
                srow = src_ref[pl.ds(j // 128, 1), :]
                sj = jnp.sum(jnp.where(lane128 == j % 128, srow, 0))
                jbuf_ref[i] = j
                sbuf_ref[i] = sj
                return j

            last = jax.lax.fori_loop(0, valid, ex_body, last)

            def g_body(i, _):
                gbuf_ref[pl.ds(i, 1), :] = nf_ref[pl.ds(sbuf_ref[i], 1), :]
                pltpu.make_async_copy(
                    ea_any.at[pl.ds(jbuf_ref[i], 1), :],
                    earow_ref.at[pl.ds(i, 1), :], sem).start()
                return 0

            jax.lax.fori_loop(0, valid, g_body, 0)

            def d_body(i, _):
                pltpu.make_async_copy(ea_any.at[pl.ds(0, 1), :],
                                      earow_ref.at[pl.ds(0, 1), :],
                                      sem).wait()
                return 0

            jax.lax.fori_loop(0, valid, d_body, 0)

            x = jnp.maximum(dot(gbuf_ref[...], w_enc) + b_enc, 0.0)
            xl = dot(x, w_l) + b_l
            e = dot(earow_ref[...], w_e_ref[...])
            lt = logits512(_leaky(xl + xr0 + e))
            rowi = jax.lax.broadcasted_iota(jnp.int32, (CHUNK, HE), 0)
            lt = jnp.where(rowi < valid, lt, -1e30)
            cm = jnp.max(lt, axis=0, keepdims=True)
            mn = jnp.maximum(m512, cm)
            p = jnp.exp(lt - mn)
            sc = jnp.exp(m512 - mn)
            s512 = s512 * sc + jnp.sum(p, axis=0, keepdims=True)
            acc = acc * sc + jnp.sum(p * xl, axis=0, keepdims=True)
            return last, mn, s512, acc

        _, m512, s512, acc = jax.lax.fori_loop(
            0, nchunks, chunk_body, (jnp.int32(-1), m512, s512, acc))

        out = dot(acc / (s512 + 1e-16), h_ref[...]) * 0.25 + bias_ref[...]
        out_ref[...] = out


def kernel(node_features, edge_index, edge_attr, hidden_state,
           W_enc, b_enc, W_l, b_l, W_r, b_r, W_e, att, bias):
    del hidden_state
    n_nodes, fin = node_features.shape
    n_edges = edge_index.shape[1]
    edim = edge_attr.shape[1]
    assert n_edges % 128 == 0 and fin == 128

    src = edge_index[0].astype(jnp.int32).reshape(n_edges // 128, 128)
    dst = edge_index[1].astype(jnp.int32).reshape(n_edges // 128, 128)

    gmat = jnp.repeat(jnp.eye(HEADS, dtype=jnp.float32), EMB, axis=0)
    rmat = gmat.T
    hmat = jnp.tile(jnp.eye(EMB, dtype=jnp.float32), (HEADS, 1))

    assert n_edges % 32 == 0
    scsum = _sc_attr_sums(edge_attr)
    grid = 1

    whole = lambda shape: pl.BlockSpec(shape, lambda g: tuple(0 for _ in shape))
    out = pl.pallas_call(
        functools.partial(_body, n_edges=n_edges, edim=edim),
        grid=(grid,),
        in_specs=[
            whole((2, 16, edim)),
            pl.BlockSpec(memory_space=pl.ANY),
            whole(dst.shape),
            whole(src.shape),
            whole(node_features.shape),
            whole((fin, EMB)),
            whole((1, EMB)),
            whole((EMB, HE)),
            whole((1, HE)),
            whole((EMB, HE)),
            whole((1, HE)),
            whole((edim, HE)),
            whole((1, HE)),
            whole((HE, HEADS)),
            whole((HEADS, HE)),
            whole((HE, EMB)),
            whole((1, EMB)),
        ],
        out_specs=whole((1, EMB)),
        out_shape=jax.ShapeDtypeStruct((1, EMB), jnp.float32),
        scratch_shapes=[
            pltpu.VMEM((CHUNK, 128), jnp.float32),
            pltpu.VMEM((CHUNK, edim), jnp.float32),
            pltpu.SMEM((CHUNK,), jnp.int32),
            pltpu.SMEM((CHUNK,), jnp.int32),
            pltpu.SemaphoreType.DMA,
        ],
    )(scsum, edge_attr, dst, src, node_features,
      W_enc, b_enc.reshape(1, EMB), W_l, b_l.reshape(1, HE),
      W_r, b_r.reshape(1, HE), W_e, att.reshape(1, HE),
      gmat, rmat, hmat, bias.reshape(1, EMB))
    return out

# --- scband reference (transcript-rebuilt; emitter-appended) ---
"""Pipeline reference for scband-sgatencoder-22471268893026 (READ-ONLY COPY).

The authoritative reference and input builder live on the scoring server;
editing this copy changes nothing except your own understanding.
"""

import jax, jax.numpy as jnp
import numpy as np

N_NODES = 10000
N_EDGES = 320000
FIN = 128
EMB = 128  # config.GNN_EMBEDDING_DIM
HEADS = 4
EDGE_DIM = 9


def setup_inputs(seed: int = 0) -> dict:
    key = jax.random.key(seed)
    ks = jax.random.split(key, 14)
    node_features = jax.random.normal(ks[0], (N_NODES, FIN), dtype=jnp.float32)
    edge_index = jax.random.randint(ks[1], (2, N_EDGES), 0, N_NODES)
    edge_attr = jax.random.normal(ks[2], (N_EDGES, EDGE_DIM), dtype=jnp.float32)
    hidden_state = jax.random.normal(ks[3], (1, EMB), dtype=jnp.float32)
    s = 0.05
    params = {
        'W_enc': jax.random.normal(ks[4], (FIN, EMB), dtype=jnp.float32) * s,
        'b_enc': jnp.zeros((EMB,), dtype=jnp.float32),
        'W_l': jax.random.normal(ks[5], (EMB, HEADS * EMB), dtype=jnp.float32) * s,
        'b_l': jnp.zeros((HEADS * EMB,), dtype=jnp.float32),
        'W_r': jax.random.normal(ks[6], (EMB, HEADS * EMB), dtype=jnp.float32) * s,
        'b_r': jnp.zeros((HEADS * EMB,), dtype=jnp.float32),
        'W_e': jax.random.normal(ks[7], (EDGE_DIM, HEADS * EMB), dtype=jnp.float32) * s,
        'att': jax.random.normal(ks[8], (HEADS, EMB), dtype=jnp.float32) * s,
        'bias': jnp.zeros((EMB,), dtype=jnp.float32),
    }
    inp = {'node_features': node_features, 'edge_index': edge_index,
           'edge_attr': edge_attr, 'hidden_state': hidden_state}
    inp.update(params)
    return inp


def reference(node_features, edge_index, edge_attr, hidden_state,
              W_enc, b_enc, W_l, b_l, W_r, b_r, W_e, att, bias):
    # node encoder + relu
    if node_features.ndim == 1:
        node_features = node_features[None, :]
    x = jax.nn.relu(node_features @ W_enc + b_enc)
    N = x.shape[0]
    src = edge_index[0]
    dst = edge_index[1]
    # GATv2Conv default add_self_loops=True; self-loop edge_attr = fill_value 'mean'
    loop = jnp.arange(N, dtype=src.dtype)
    src = jnp.concatenate([src, loop], axis=0)
    dst = jnp.concatenate([dst, loop], axis=0)
    mean_attr = jnp.mean(edge_attr, axis=0, keepdims=True)
    ea = jnp.concatenate([edge_attr, jnp.broadcast_to(mean_attr, (N, edge_attr.shape[1]))], axis=0)
    # GATv2: x_l = lin_l(x), x_r = lin_r(x)
    x_l = (x @ W_l + b_l).reshape(N, HEADS, EMB)
    x_r = (x @ W_r + b_r).reshape(N, HEADS, EMB)
    e = (ea @ W_e).reshape(-1, HEADS, EMB)  # lin_edge has no bias
    # message: leaky_relu(x_j + x_i + e); attention logits = <att, .>
    m = x_l[src] + x_r[dst] + e
    m = jax.nn.leaky_relu(m, negative_slope=0.2)
    alpha = jnp.sum(m * att[None, :, :], axis=-1)  # [E+N, H]
    # softmax over incoming edges per destination node
    amax = jax.ops.segment_max(alpha, dst, num_segments=N)
    alpha = jnp.exp(alpha - amax[dst])
    denom = jax.ops.segment_sum(alpha, dst, num_segments=N)
    alpha = alpha / (denom[dst] + 1e-16)
    # dropout(0.1) on alpha: eval mode -> identity
    out = jax.ops.segment_sum(x_l[src] * alpha[:, :, None], dst, num_segments=N)  # [N, H, C]
    out = jnp.mean(out, axis=1) + bias  # concat=False -> mean over heads, plus bias
    # agent embedding = node 0
    return out[0:1, :]

if __name__ == "__main__":
    import jax
    _d = setup_inputs()
    print(jax.jit(kernel)(*tuple(_d.values())))

</pallas_src>

<mosaic_0001>
#map = affine_map<(d0, d1) -> (0, 0)>
#map1 = affine_map<(d0, d1) -> (0, 0, 0)>
module attributes {stable_mosaic.version = 14 : i64} {
  func.func @k(%arg0: i32, %arg1: i32, %arg2: memref<320000x9xf32, #tpu.memory_space<hbm>>, %arg3: memref<16x9xf32, #tpu.memory_space<hbm>>, %arg4: memref<2x16x9xf32, #tpu.memory_space<hbm>>, %arg5: memref<1000x9xf32, #tpu.memory_space<vmem>>, %arg6: memref<1000xi32, #tpu.memory_space<vmem>>, %arg7: memref<16x9xf32, #tpu.memory_space<vmem_shared>>) attributes {dimension_semantics = [#tpu.dimension_semantics<core_parallel>, #tpu.dimension_semantics<subcore_parallel>], iteration_bounds = array<i64: 2, 16>, scalar_prefetch = 0 : i64, scratch_operands = 3 : i64, tpu.core_type = #tpu.core_type<sc_vector_subcore>, window_params = [{transform_indices = #map}, {transform_indices = #map}, {transform_indices = #map1}]} {
    %mul3A = arith.constant 2 : i32
    %mul3A_0 = arith.muli %arg1, %mul3A : i32
    %add3A = arith.addi %mul3A_0, %arg0 : i32
    %scan3A = arith.constant 0 : i32
    %scan3A_1 = arith.constant 0 : i32
    %scan3A_2 = arith.constant 62 : i32
    %scan3A_3 = arith.addi %scan3A_1, %scan3A_2 : i32
    %scan3A_4 = arith.constant 1 : i32
    %scan3A_5 = scf.for %scan3A_25 = %scan3A_1 to %scan3A_3 step %scan3A_4 iter_args(%scan3A_26 = %scan3A) -> (i32)  : i32 {
      %broadcast_in_dim3A_27 = vector.broadcast %arg1 : i32 to vector<16xi32>
      %mul3A_28 = arith.constant 16 : i32
      %mul3A_29 = arith.muli %scan3A_25, %mul3A_28 : i32
      %swap3A_30 = arith.index_cast %mul3A_29 : i32 to index
      %swap3A_31 = tpu.vector_load %arg6[%swap3A_30] {strides = array<i32>} : memref<1000xi32, #tpu.memory_space<vmem>>, vector<16xi32>,
      %swap3A_32 = vector.shape_cast %swap3A_31 : vector<16xi32> to vector<16xi32>
      %swap3A_33 = vector.shape_cast %broadcast_in_dim3A_27 : vector<16xi32> to vector<16xi32>
      tpu.vector_store %arg6[%swap3A_30], %swap3A_33 {strides = array<i32>} : memref<1000xi32, #tpu.memory_space<vmem>>, vector<16xi32>,
      %scan3A_34 = arith.constant 0 : i32
      scf.yield %scan3A_34 : i32
    }
    %scan3A_6 = arith.constant 62 : i32
    %broadcast_in_dim3A = vector.broadcast %arg1 : i32 to vector<16xi32>
    %swap3A = arith.constant 984 : index
    %swap3A_7 = tpu.vector_load %arg6[%swap3A] {strides = array<i32>} : memref<1000xi32, #tpu.memory_space<vmem>>, vector<16xi32>,
    %swap3A_8 = vector.shape_cast %swap3A_7 : vector<16xi32> to vector<16xi32>
    %swap3A_9 = vector.shape_cast %broadcast_in_dim3A : vector<16xi32> to vector<16xi32>
    tpu.vector_store %arg6[%swap3A], %swap3A_9 {strides = array<i32>} : memref<1000xi32, #tpu.memory_space<vmem>>, vector<16xi32>,
    %eq3A = arith.constant 0 : i32
    %eq3A_10 = arith.cmpi eq, %arg1, %eq3A : i32
    %convert_element_type3A = arith.extui %eq3A_10 : i1 to i32
    %cond3A = arith.constant 0 : i32
    %cond3A_11 = arith.cmpi ne, %convert_element_type3A, %cond3A : i32
    scf.if %cond3A_11 {
      "tpu.region"() ({
        %run_scoped3A = tpu.sem_alloc : memref<!tpu.dma_semaphore, #tpu.memory_space<semaphore_mem>>
        tpu.enqueue_dma source(%arg3 : memref<16x9xf32, #tpu.memory_space<hbm>>) target(%arg7 : memref<16x9xf32, #tpu.memory_space<vmem_shared>>) target_semaphore(%run_scoped3A : memref<!tpu.dma_semaphore, #tpu.memory_space<semaphore_mem>>)
        tpu.wait_dma2 semaphore(%run_scoped3A : memref<!tpu.dma_semaphore, #tpu.memory_space<semaphore_mem>>) src(%arg3 : memref<16x9xf32, #tpu.memory_space<hbm>>) dst(%arg7 : memref<16x9xf32, #tpu.memory_space<vmem_shared>>)
        tpu.yield
      }) : () -> ()
    } else {
    }
    %barrier3A = arith.constant 0 : index
    tpu.barrier barrier_id(%barrier3A)
    %scan3A_12 = arith.constant 0 : i32
    %scan3A_13 = arith.constant 0 : i32
    %scan3A_14 = arith.constant 10 : i32
    %scan3A_15 = arith.addi %scan3A_13, %scan3A_14 : i32
    %scan3A_16 = arith.constant 1 : i32
    %scan3A_17 = scf.for %scan3A_25 = %scan3A_13 to %scan3A_15 step %scan3A_16 iter_args(%scan3A_26 = %scan3A_12) -> (i32)  : i32 {
      %mul3A_27 = arith.constant 10000 : i32
      %mul3A_28 = arith.muli %add3A, %mul3A_27 : i32
      %mul3A_29 = arith.constant 1000 : i32
      %mul3A_30 = arith.muli %scan3A_25, %mul3A_29 : i32
      %add3A_31 = arith.addi %mul3A_28, %mul3A_30 : i32
      %multiple_of3A = tpu.assume_multiple %add3A_31, 8 : i32
      "tpu.region"() ({
        %run_scoped3A = tpu.sem_alloc : memref<!tpu.dma_semaphore, #tpu.memory_space<semaphore_mem>>
        %dma_start3A = arith.constant 0 : i32
        %dma_start3A_33 = tpu.memref_slice %arg2[%multiple_of3A, %dma_start3A] : memref<320000x9xf32, #tpu.memory_space<hbm>> -> memref<1000x9xf32, #tpu.memory_space<hbm>>
        %dma_start3A_34 = arith.constant 0 : i32
        %dma_start3A_35 = tpu.memref_slice %arg2[%multiple_of3A, %dma_start3A_34] : memref<320000x9xf32, #tpu.memory_space<hbm>> -> memref<1000x9xf32, #tpu.memory_space<hbm>>
        tpu.enqueue_dma source(%dma_start3A_35 : memref<1000x9xf32, #tpu.memory_space<hbm>>) target(%arg5 : memref<1000x9xf32, #tpu.memory_space<vmem>>) target_semaphore(%run_scoped3A : memref<!tpu.dma_semaphore, #tpu.memory_space<semaphore_mem>>)
        %dma_wait3A = arith.constant 0 : i32
        %dma_wait3A_36 = tpu.memref_slice %arg2[%multiple_of3A, %dma_wait3A] : memref<320000x9xf32, #tpu.memory_space<hbm>> -> memref<1000x9xf32, #tpu.memory_space<hbm>>
        %dma_wait3A_37 = arith.constant 0 : i32
        %dma_wait3A_38 = tpu.memref_slice %arg2[%multiple_of3A, %dma_wait3A_37] : memref<320000x9xf32, #tpu.memory_space<hbm>> -> memref<1000x9xf32, #tpu.memory_space<hbm>>
        tpu.wait_dma2 semaphore(%run_scoped3A : memref<!tpu.dma_semaphore, #tpu.memory_space<semaphore_mem>>) src(%dma_wait3A_38 : memref<1000x9xf32, #tpu.memory_space<hbm>>) dst(%arg5 : memref<1000x9xf32, #tpu.memory_space<vmem>>)
        tpu.yield
      }) : () -> ()
      "tpu.region"() ({
        %run_scoped3A = tpu.sem_alloc : memref<!tpu.dma_semaphore, #tpu.memory_space<semaphore_mem>>
        %dma_start3A = arith.constant 0 : i32
        %dma_start3A_33 = arith.constant 0 : i32
        %dma_start3A_34 = tpu.memref_slice %arg7[%dma_start3A, %dma_start3A_33] : memref<16x9xf32, #tpu.memory_space<vmem_shared>> -> memref<16x9xf32, #tpu.memory_space<vmem_shared>>
        tpu.enqueue_indirect_dma source(%arg5 : memref<1000x9xf32, #tpu.memory_space<vmem>>) target(%dma_start3A_34 : memref<16x9xf32, #tpu.memory_space<vmem_shared>>) offsets(%arg6 : memref<1000xi32, #tpu.memory_space<vmem>>) semaphore(%run_scoped3A : memref<!tpu.dma_semaphore, #tpu.memory_space<semaphore_mem>>) {add = true}
        %dma_wait3A = arith.constant 0 : i32
        %dma_wait3A_35 = arith.constant 0 : i32
        %dma_wait3A_36 = tpu.memref_slice %arg7[%dma_wait3A, %dma_wait3A_35] : memref<16x9xf32, #tpu.memory_space<vmem_shared>> -> memref<16x9xf32, #tpu.memory_space<vmem_shared>>
        tpu.wait_indirect_dma semaphore(%run_scoped3A : memref<!tpu.dma_semaphore, #tpu.memory_space<semaphore_mem>>) src(%arg5 : memref<1000x9xf32, #tpu.memory_space<vmem>>) dst(%dma_wait3A_36 : memref<16x9xf32, #tpu.memory_space<vmem_shared>>)
        tpu.yield
      }) : () -> ()
      %scan3A_32 = arith.constant 0 : i32
      scf.yield %scan3A_32 : i32
    }
    %scan3A_18 = arith.constant 10 : i32
    %barrier3A_19 = arith.constant 0 : index
    tpu.barrier barrier_id(%barrier3A_19)
    %eq3A_20 = arith.constant 0 : i32
    %eq3A_21 = arith.cmpi eq, %arg1, %eq3A_20 : i32
    %convert_element_type3A_22 = arith.extui %eq3A_21 : i1 to i32
    %cond3A_23 = arith.constant 0 : i32
    %cond3A_24 = arith.cmpi ne, %convert_element_type3A_22, %cond3A_23 : i32
    scf.if %cond3A_24 {
      "tpu.region"() ({
        %run_scoped3A = tpu.sem_alloc : memref<!tpu.dma_semaphore, #tpu.memory_space<semaphore_mem>>
        %dma_start3A = arith.constant 0 : i32
        %dma_start3A_25 = arith.constant 0 : i32
        %dma_start3A_26 = tpu.memref_slice %arg4[%arg0, %dma_start3A, %dma_start3A_25] : memref<2x16x9xf32, #tpu.memory_space<hbm>> -> memref<1x16x9xf32, #tpu.memory_space<hbm>>
        %dma_start3A_27 = tpu.memref_squeeze %dma_start3A_26 : memref<1x16x9xf32, #tpu.memory_space<hbm>> -> memref<16x9xf32, #tpu.memory_space<hbm>>
        tpu.enqueue_dma source(%arg7 : memref<16x9xf32, #tpu.memory_space<vmem_shared>>) target(%dma_start3A_27 : memref<16x9xf32, #tpu.memory_space<hbm>>) target_semaphore(%run_scoped3A : memref<!tpu.dma_semaphore, #tpu.memory_space<semaphore_mem>>)
        %dma_wait3A = arith.constant 0 : i32
        %dma_wait3A_28 = arith.constant 0 : i32
        %dma_wait3A_29 = tpu.memref_slice %arg4[%arg0, %dma_wait3A, %dma_wait3A_28] : memref<2x16x9xf32, #tpu.memory_space<hbm>> -> memref<1x16x9xf32, #tpu.memory_space<hbm>>
        %dma_wait3A_30 = tpu.memref_squeeze %dma_wait3A_29 : memref<1x16x9xf32, #tpu.memory_space<hbm>> -> memref<16x9xf32, #tpu.memory_space<hbm>>
        tpu.wait_dma2 semaphore(%run_scoped3A : memref<!tpu.dma_semaphore, #tpu.memory_space<semaphore_mem>>) src(%arg7 : memref<16x9xf32, #tpu.memory_space<vmem_shared>>) dst(%dma_wait3A_30 : memref<16x9xf32, #tpu.memory_space<hbm>>)
        tpu.yield
      }) : () -> ()
    } else {
    }
    return
  }
}

module attributes {stable_mosaic.version = 14 : i64} {
  func.func @_body(%arg0: i32, %arg1: memref<2x16x9xf32, #tpu.memory_space<vmem>>, %arg2: memref<320000x9xf32, #tpu.memory_space<any>>, %arg3: memref<2500x128xi32, #tpu.memory_space<vmem>>, %arg4: memref<2500x128xi32, #tpu.memory_space<vmem>>, %arg5: memref<10000x128xf32, #tpu.memory_space<vmem>>, %arg6: memref<128x128xf32, #tpu.memory_space<vmem>>, %arg7: memref<1x128xf32, #tpu.memory_space<vmem>>, %arg8: memref<128x512xf32, #tpu.memory_space<vmem>>, %arg9: memref<1x512xf32, #tpu.memory_space<vmem>>, %arg10: memref<128x512xf32, #tpu.memory_space<vmem>>, %arg11: memref<1x512xf32, #tpu.memory_space<vmem>>, %arg12: memref<9x512xf32, #tpu.memory_space<vmem>>, %arg13: memref<1x512xf32, #tpu.memory_space<vmem>>, %arg14: memref<512x4xf32, #tpu.memory_space<vmem>>, %arg15: memref<4x512xf32, #tpu.memory_space<vmem>>, %arg16: memref<512x128xf32, #tpu.memory_space<vmem>>, %arg17: memref<1x128xf32, #tpu.memory_space<vmem>>, %arg18: memref<1x128xf32, #tpu.memory_space<vmem>>, %arg19: memref<128x128xf32, #tpu.memory_space<vmem>>, %arg20: memref<128x9xf32, #tpu.memory_space<vmem>>, %arg21: memref<128xi32, #tpu.memory_space<smem>>, %arg22: memref<128xi32, #tpu.memory_space<smem>>, %arg23: memref<!tpu.dma_semaphore, #tpu.memory_space<semaphore_mem>>) attributes {dimension_semantics = [#tpu.dimension_semantics<arbitrary>], iteration_bounds = array<i64: 1>, scalar_prefetch = 0 : i64, scratch_operands = 5 : i64, tpu.core_type = #tpu.core_type<tc>, window_params = [{pipeline_mode = #tpu.pipeline_mode<synchronous>, transform_indices = @transform_0, window_bounds = array<i64: 2, 16, 9>}, {}, {pipeline_mode = #tpu.pipeline_mode<synchronous>, transform_indices = @transform_2, window_bounds = array<i64: 2500, 128>}, {pipeline_mode = #tpu.pipeline_mode<synchronous>, transform_indices = @transform_3, window_bounds = array<i64: 2500, 128>}, {pipeline_mode = #tpu.pipeline_mode<synchronous>, transform_indices = @transform_4, window_bounds = array<i64: 10000, 128>}, {pipeline_mode = #tpu.pipeline_mode<synchronous>, transform_indices = @transform_5, window_bounds = array<i64: 128, 128>}, {pipeline_mode = #tpu.pipeline_mode<synchronous>, transform_indices = @transform_6, window_bounds = array<i64: 1, 128>}, {pipeline_mode = #tpu.pipeline_mode<synchronous>, transform_indices = @transform_7, window_bounds = array<i64: 128, 512>}, {pipeline_mode = #tpu.pipeline_mode<synchronous>, transform_indices = @transform_8, window_bounds = array<i64: 1, 512>}, {pipeline_mode = #tpu.pipeline_mode<synchronous>, transform_indices = @transform_9, window_bounds = array<i64: 128, 512>}, {pipeline_mode = #tpu.pipeline_mode<synchronous>, transform_indices = @transform_10, window_bounds = array<i64: 1, 512>}, {pipeline_mode = #tpu.pipeline_mode<synchronous>, transform_indices = @transform_11, window_bounds = array<i64: 9, 512>}, {pipeline_mode = #tpu.pipeline_mode<synchronous>, transform_indices = @transform_12, window_bounds = array<i64: 1, 512>}, {pipeline_mode = #tpu.pipeline_mode<synchronous>, transform_indices = @transform_13, window_bounds = array<i64: 512, 4>}, {pipeline_mode = #tpu.pipeline_mode<synchronous>, transform_indices = @transform_14, window_bounds = array<i64: 4, 512>}, {pipeline_mode = #tpu.pipeline_mode<synchronous>, transform_indices = @transform_15, window_bounds = array<i64: 512, 128>}, {pipeline_mode = #tpu.pipeline_mode<synchronous>, transform_indices = @transform_16, window_bounds = array<i64: 1, 128>}, {pipeline_mode = #tpu.pipeline_mode<synchronous>, transform_indices = @transform_17, window_bounds = array<i64: 1, 128>}]} {
    %eq3A = arith.constant 0 : i32
    %eq3A_0 = arith.cmpi eq, %arg0, %eq3A : i32
    %convert_element_type3A = arith.extui %eq3A_0 : i1 to i32
    %cond3A = arith.constant 0 : i32
    %cond3A_1 = arith.cmpi ne, %convert_element_type3A, %cond3A : i32
    scf.if %cond3A_1 {
      %get3A = arith.constant 0 : index
      %get3A_2 = arith.constant 0 : index
      %get3A_3 = vector.load %arg3[%get3A, %get3A_2] : memref<2500x128xi32, #tpu.memory_space<vmem>>, vector<2500x128xi32>
      %eq3A_4 = arith.constant 0 : i32
      %eq3A_5 = vector.broadcast %eq3A_4 : i32 to vector<2500x128xi32>
      %eq3A_6 = arith.cmpi eq, %get3A_3, %eq3A_5 : vector<2500x128xi32>
      %convert_element_type3A_7 = arith.extui %eq3A_6 : vector<2500x128xi1> to vector<2500x128xi32>
      %reduce_sum3A = vector.shape_cast %convert_element_type3A_7 : vector<2500x128xi32> to vector<1x2500x128xi32>
      %reduce_sum3A_8 = arith.constant dense<0> : vector<1xi32>
      %reduce_sum3A_9 = vector.multi_reduction <add>, %reduce_sum3A, %reduce_sum3A_8 [1, 2] : vector<1x2500x128xi32> to vector<1xi32>
      %reduce_sum3A_10 = vector.shape_cast %reduce_sum3A_9 : vector<1xi32> to vector<1x1x1xi32>
      %reduce_sum3A_11 = vector.extract %reduce_sum3A_10[0, 0, 0] : i32 from vector<1x1x1xi32>
      %iota3A = tpu.iota {dimensions = array<i32: 0>} : vector<2500x128xi32>
      %mul3A = arith.constant 128 : i32
      %mul3A_12 = vector.broadcast %mul3A : i32 to vector<2500x128xi32>
      %mul3A_13 = arith.muli %iota3A, %mul3A_12 : vector<2500x128xi32>
      %iota3A_14 = tpu.iota {dimensions = array<i32: 1>} : vector<2500x128xi32>
      %add3A = arith.addi %mul3A_13, %iota3A_14 : vector<2500x128xi32>
      %jit3A = arith.constant 1073741824 : i32
      %broadcast_in_dim3A = vector.broadcast %jit3A : i32 to vector<2500x128xi32>
      %select_n3A = arith.select %eq3A_6, %add3A, %broadcast_in_dim3A : vector<2500x128xi1>, vector<2500x128xi32>
      %iota3A_15 = tpu.iota {dimensions = array<i32: 1>} : vector<1x128xi32>
      %get3A_16 = arith.constant 0 : index
      %get3A_17 = arith.constant 0 : index
      %get3A_18 = vector.load %arg6[%get3A_16, %get3A_17] : memref<128x128xf32, #tpu.memory_space<vmem>>, vector<128x128xf32>
      %get3A_19 = arith.constant 0 : index
      %get3A_20 = arith.constant 0 : index
      %get3A_21 = vector.load %arg7[%get3A_19, %get3A_20] : memref<1x128xf32, #tpu.memory_space<vmem>>, vector<1x128xf32>
      %get3A_22 = arith.constant 0 : index
      %get3A_23 = arith.constant 0 : index
      %get3A_24 = vector.load %arg8[%get3A_22, %get3A_23] : memref<128x512xf32, #tpu.memory_space<vmem>>, vector<128x512xf32>
      %get3A_25 = arith.constant 0 : index
      %get3A_26 = arith.constant 0 : index
      %get3A_27 = vector.load %arg9[%get3A_25, %get3A_26] : memref<1x512xf32, #tpu.memory_space<vmem>>, vector<1x512xf32>
      %get3A_28 = arith.constant 0 : index
      %get3A_29 = arith.constant 0 : index
      %get3A_30 = vector.load %arg13[%get3A_28, %get3A_29] : memref<1x512xf32, #tpu.memory_space<vmem>>, vector<1x512xf32>
      %get3A_31 = arith.constant 0 : index
      %get3A_32 = arith.constant 0 : index
      %get3A_33 = vector.load %arg14[%get3A_31, %get3A_32] : memref<512x4xf32, #tpu.memory_space<vmem>>, vector<512x4xf32>
      %get3A_34 = arith.constant 0 : index
      %get3A_35 = arith.constant 0 : index
      %get3A_36 = vector.load %arg15[%get3A_34, %get3A_35] : memref<4x512xf32, #tpu.memory_space<vmem>>, vector<4x512xf32>
      %get3A_37 = arith.constant 0 : index
      %get3A_38 = arith.constant 0 : index
      %get3A_39 = vector.load %arg5[%get3A_37, %get3A_38] : memref<10000x128xf32, #tpu.memory_space<vmem>>, vector<1x128xf32>
      %dot_general3A = arith.constant dense<0.000000e+00> : vector<1x128xf32>
      %dot_general3A_40 = tpu.matmul %get3A_39, %get3A_18, %dot_general3A {dimension_numbers = #tpu.dot_dimension_numbers<[1], [0], [0], [1], [0, 0, 1, 1], [], []>, precision = #tpu.contract_precision<fp32>, transpose_lhs_hint = false} : vector<1x128xf32>, vector<128x128xf32>, vector<1x128xf32> -> vector<1x128xf32>
      %add3A_41 = arith.addf %dot_general3A_40, %get3A_21 : vector<1x128xf32>
      %max3A = arith.constant 0.000000e+00 : f32
      %max3A_42 = vector.broadcast %max3A : f32 to vector<1x128xf32>
      %max3A_43 = arith.maximumf %add3A_41, %max3A_42 : vector<1x128xf32>
      %get3A_44 = arith.constant 0 : index
      %get3A_45 = arith.constant 0 : index
      %get3A_46 = vector.load %arg10[%get3A_44, %get3A_45] : memref<128x512xf32, #tpu.memory_space<vmem>>, vector<128x512xf32>
      %dot_general3A_47 = arith.constant dense<0.000000e+00> : vector<1x512xf32>
      %dot_general3A_48 = tpu.matmul %max3A_43, %get3A_46, %dot_general3A_47 {dimension_numbers = #tpu.dot_dimension_numbers<[1], [0], [0], [1], [0, 0, 1, 1], [], []>, precision = #tpu.contract_precision<fp32>, transpose_lhs_hint = false} : vector<1x128xf32>, vector<128x512xf32>, vector<1x512xf32> -> vector<1x512xf32>
      %get3A_49 = arith.constant 0 : index
      %get3A_50 = arith.constant 0 : index
      %get3A_51 = vector.load %arg11[%get3A_49, %get3A_50] : memref<1x512xf32, #tpu.memory_space<vmem>>, vector<1x512xf32>
      %add3A_52 = arith.addf %dot_general3A_48, %get3A_51 : vector<1x512xf32>
      %dot_general3A_53 = arith.constant dense<0.000000e+00> : vector<1x512xf32>
      %dot_general3A_54 = tpu.matmul %max3A_43, %get3A_24, %dot_general3A_53 {dimension_numbers = #tpu.dot_dimension_numbers<[1], [0], [0], [1], [0, 0, 1, 1], [], []>, precision = #tpu.contract_precision<fp32>, transpose_lhs_hint = false} : vector<1x128xf32>, vector<128x512xf32>, vector<1x512xf32> -> vector<1x512xf32>
      %add3A_55 = arith.addf %dot_general3A_54, %get3A_27 : vector<1x512xf32>
      %get3A_56 = arith.constant 0 : index
      %get3A_57 = arith.constant 0 : index
      %get3A_58 = arith.constant 0 : index
      %get3A_59 = vector.load %arg1[%get3A_56, %get3A_57, %get3A_58] : memref<2x16x9xf32, #tpu.memory_space<vmem>>, vector<2x16x9xf32>
      %reshape3A = vector.shape_cast %get3A_59 : vector<2x16x9xf32> to vector<32x9xf32>
      %reduce_sum3A_60 = arith.constant dense<0.000000e+00> : vector<9xf32>
      %reduce_sum3A_61 = vector.multi_reduction <add>, %reshape3A, %reduce_sum3A_60 [0] : vector<32x9xf32> to vector<9xf32>
      %broadcast_in_dim3A_62 = vector.shape_cast %reduce_sum3A_61 : vector<9xf32> to vector<1x9xf32>
      %mul3A_63 = arith.constant 3.125000e-06 : f32
      %mul3A_64 = vector.broadcast %mul3A_63 : f32 to vector<1x9xf32>
      %mul3A_65 = arith.mulf %broadcast_in_dim3A_62, %mul3A_64 : vector<1x9xf32>
      %get3A_66 = arith.constant 0 : index
      %get3A_67 = arith.constant 0 : index
      %get3A_68 = vector.load %arg12[%get3A_66, %get3A_67] : memref<9x512xf32, #tpu.memory_space<vmem>>, vector<9x512xf32>
      %dot_general3A_69 = arith.constant dense<0.000000e+00> : vector<1x512xf32>
      %dot_general3A_70 = tpu.matmul %mul3A_65, %get3A_68, %dot_general3A_69 {dimension_numbers = #tpu.dot_dimension_numbers<[1], [0], [0], [1], [0, 0, 1, 1], [], []>, precision = #tpu.contract_precision<fp32>, transpose_lhs_hint = false} : vector<1x9xf32>, vector<9x512xf32>, vector<1x512xf32> -> vector<1x512xf32>
      %add3A_71 = arith.addf %add3A_55, %add3A_52 : vector<1x512xf32>
      %add3A_72 = arith.addf %add3A_71, %dot_general3A_70 : vector<1x512xf32>
      %ge3A = arith.constant 0.000000e+00 : f32
      %ge3A_73 = vector.broadcast %ge3A : f32 to vector<1x512xf32>
      %ge3A_74 = arith.cmpf oge, %add3A_72, %ge3A_73 : vector<1x512xf32>
      %mul3A_75 = arith.constant 2.000000e-01 : f32
      %mul3A_76 = vector.broadcast %mul3A_75 : f32 to vector<1x512xf32>
      %mul3A_77 = arith.mulf %mul3A_76, %add3A_72 : vector<1x512xf32>
      %select_n3A_78 = arith.select %ge3A_74, %add3A_72, %mul3A_77 : vector<1x512xi1>, vector<1x512xf32>
      %mul3A_79 = arith.mulf %select_n3A_78, %get3A_30 : vector<1x512xf32>
      %dot_general3A_80 = arith.constant dense<0.000000e+00> : vector<1x4xf32>
      %dot_general3A_81 = tpu.matmul %mul3A_79, %get3A_33, %dot_general3A_80 {dimension_numbers = #tpu.dot_dimension_numbers<[1], [0], [0], [1], [0, 0, 1, 1], [], []>, precision = #tpu.contract_precision<fp32>, transpose_lhs_hint = false} : vector<1x512xf32>, vector<512x4xf32>, vector<1x4xf32> -> vector<1x4xf32>
      %dot_general3A_82 = arith.constant dense<0.000000e+00> : vector<1x512xf32>
      %dot_general3A_83 = tpu.matmul %dot_general3A_81, %get3A_36, %dot_general3A_82 {dimension_numbers = #tpu.dot_dimension_numbers<[1], [0], [0], [1], [0, 0, 1, 1], [], []>, precision = #tpu.contract_precision<fp32>, transpose_lhs_hint = false} : vector<1x4xf32>, vector<4x512xf32>, vector<1x512xf32> -> vector<1x512xf32>
      %broadcast_in_dim3A_84 = arith.constant 1.000000e+00 : f32
      %broadcast_in_dim3A_85 = vector.broadcast %broadcast_in_dim3A_84 : f32 to vector<1x512xf32>
      %broadcast_in_dim3A_86 = arith.constant 0.000000e+00 : f32
      %broadcast_in_dim3A_87 = vector.broadcast %broadcast_in_dim3A_86 : f32 to vector<128x128xf32>
      %swap3A = arith.constant 0 : index
      %swap3A_88 = arith.constant 0 : index
      %swap3A_89 = vector.load %arg19[%swap3A, %swap3A_88] : memref<128x128xf32, #tpu.memory_space<vmem>>, vector<128x128xf32>
      tpu.vector_store %arg19[%swap3A, %swap3A_88], %broadcast_in_dim3A_87 {strides = array<i32>} : memref<128x128xf32, #tpu.memory_space<vmem>>, vector<128x128xf32>,
      %broadcast_in_dim3A_90 = arith.constant 0.000000e+00 : f32
      %broadcast_in_dim3A_91 = vector.broadcast %broadcast_in_dim3A_90 : f32 to vector<128x9xf32>
      %swap3A_92 = arith.constant 0 : index
      %swap3A_93 = arith.constant 0 : index
      %swap3A_94 = vector.load %arg20[%swap3A_92, %swap3A_93] : memref<128x9xf32, #tpu.memory_space<vmem>>, vector<128x9xf32>
      tpu.vector_store %arg20[%swap3A_92, %swap3A_93], %broadcast_in_dim3A_91 {strides = array<i32>} : memref<128x9xf32, #tpu.memory_space<vmem>>, vector<128x9xf32>,
      %add3A_95 = arith.constant 128 : i32
      %add3A_96 = arith.addi %reduce_sum3A_11, %add3A_95 : i32
      %sub3A = arith.constant 1 : i32
      %sub3A_97 = arith.subi %add3A_96, %sub3A : i32
      %jit3A_98 = arith.constant 128 : i32
      %div3A = arith.divsi %sub3A_97, %jit3A_98 : i32
      %sign3A = arith.constant 0 : i32
      %sign3A_99 = arith.cmpi sgt, %sub3A_97, %sign3A : i32
      %sign3A_100 = arith.extui %sign3A_99 : i1 to i32
      %sign3A_101 = arith.constant 0 : i32
      %sign3A_102 = arith.cmpi slt, %sub3A_97, %sign3A_101 : i32
      %sign3A_103 = arith.extui %sign3A_102 : i1 to i32
      %sign3A_104 = arith.subi %sign3A_100, %sign3A_103 : i32
      %sign3A_105 = arith.constant 0 : i32
      %sign3A_106 = arith.cmpi sgt, %jit3A_98, %sign3A_105 : i32
      %sign3A_107 = arith.extui %sign3A_106 : i1 to i32
      %sign3A_108 = arith.constant 0 : i32
      %sign3A_109 = arith.cmpi slt, %jit3A_98, %sign3A_108 : i32
      %sign3A_110 = arith.extui %sign3A_109 : i1 to i32
      %sign3A_111 = arith.subi %sign3A_107, %sign3A_110 : i32
      %ne3A = arith.cmpi ne, %sign3A_104, %sign3A_111 : i32
      %rem3A = arith.remsi %sub3A_97, %jit3A_98 : i32
      %ne3A_112 = arith.constant 0 : i32
      %ne3A_113 = arith.cmpi ne, %rem3A, %ne3A_112 : i32
      %and3A = arith.andi %ne3A, %ne3A_113 : i1
      %sub3A_114 = arith.constant 1 : i32
      %sub3A_115 = arith.subi %div3A, %sub3A_114 : i32
      %select_n3A_116 = arith.select %and3A, %sub3A_115, %div3A : i32
      %while3A = arith.constant 1073741824 : i32
      %while3A_117 = arith.constant 0 : i32
      %while3A_118 = arith.constant -1 : i32
      %while3A_119 = arith.subi %select_n3A_116, %while3A_117 : i32
      %while3A_120 = arith.addi %while3A_117, %while3A_119 : i32
      %while3A_121 = arith.constant 1 : i32
      %while3A_122 = arith.divsi %while3A_119, %while3A_121 : i32
      %while3A_123 = arith.muli %while3A_122, %while3A_121 : i32
      %while3A_124 = arith.addi %while3A_117, %while3A_123 : i32
      %while3A_125 = arith.constant 1 : i32
      %while3A_126:4 = scf.for %while3A_148 = %while3A_117 to %while3A_124 step %while3A_125 iter_args(%while3A_149 = %while3A_118, %while3A_150 = %dot_general3A_83, %while3A_151 = %broadcast_in_dim3A_85, %while3A_152 = %add3A_55) -> (i32, vector<1x512xf32>, vector<1x512xf32>, vector<1x512xf32>)  : i32 {
        %mul3A_153 = arith.constant 128 : i32
        %mul3A_154 = arith.muli %while3A_148, %mul3A_153 : i32
        %sub3A_155 = arith.subi %reduce_sum3A_11, %mul3A_154 : i32
        %min3A = arith.constant 128 : i32
        %min3A_156 = arith.minsi %sub3A_155, %min3A : i32
        %while3A_157 = arith.constant 0 : i32
        %while3A_158 = arith.subi %min3A_156, %while3A_157 : i32
        %while3A_159 = arith.addi %while3A_157, %while3A_158 : i32
        %while3A_160 = arith.constant 1 : i32
        %while3A_161 = arith.divsi %while3A_158, %while3A_160 : i32
        %while3A_162 = arith.muli %while3A_161, %while3A_160 : i32
        %while3A_163 = arith.addi %while3A_157, %while3A_162 : i32
        %while3A_164 = arith.constant 1 : i32
        %while3A_165 = scf.for %while3A_253 = %while3A_157 to %while3A_163 step %while3A_164 iter_args(%while3A_254 = %while3A_149) -> (i32)  : i32 {
          %gt3A = vector.broadcast %while3A_254 : i32 to vector<2500x128xi32>
          %gt3A_255 = arith.cmpi sgt, %select_n3A, %gt3A : vector<2500x128xi32>
          %broadcast_in_dim3A_256 = vector.broadcast %while3A : i32 to vector<2500x128xi32>
          %select_n3A_257 = arith.select %gt3A_255, %select_n3A, %broadcast_in_dim3A_256 : vector<2500x128xi1>, vector<2500x128xi32>
          %reduce_min3A = vector.shape_cast %select_n3A_257 : vector<2500x128xi32> to vector<1x2500x128xi32>
          %reduce_min3A_258 = arith.constant dense<2147483647> : vector<1xi32>
          %reduce_min3A_259 = vector.multi_reduction <minsi>, %reduce_min3A, %reduce_min3A_258 [1, 2] : vector<1x2500x128xi32> to vector<1xi32>
          %reduce_min3A_260 = vector.shape_cast %reduce_min3A_259 : vector<1xi32> to vector<1x1x1xi32>
          %reduce_min3A_261 = vector.extract %reduce_min3A_260[0, 0, 0] : i32 from vector<1x1x1xi32>
          %jit3A_262 = arith.constant 128 : i32
          %div3A_263 = arith.divsi %reduce_min3A_261, %jit3A_262 : i32
          %sign3A_264 = arith.constant 0 : i32
          %sign3A_265 = arith.cmpi sgt, %reduce_min3A_261, %sign3A_264 : i32
          %sign3A_266 = arith.extui %sign3A_265 : i1 to i32
          %sign3A_267 = arith.constant 0 : i32
          %sign3A_268 = arith.cmpi slt, %reduce_min3A_261, %sign3A_267 : i32
          %sign3A_269 = arith.extui %sign3A_268 : i1 to i32
          %sign3A_270 = arith.subi %sign3A_266, %sign3A_269 : i32
          %sign3A_271 = arith.constant 0 : i32
          %sign3A_272 = arith.cmpi sgt, %jit3A_262, %sign3A_271 : i32
          %sign3A_273 = arith.extui %sign3A_272 : i1 to i32
          %sign3A_274 = arith.constant 0 : i32
          %sign3A_275 = arith.cmpi slt, %jit3A_262, %sign3A_274 : i32
          %sign3A_276 = arith.extui %sign3A_275 : i1 to i32
          %sign3A_277 = arith.subi %sign3A_273, %sign3A_276 : i32
          %ne3A_278 = arith.cmpi ne, %sign3A_270, %sign3A_277 : i32
          %rem3A_279 = arith.remsi %reduce_min3A_261, %jit3A_262 : i32
          %ne3A_280 = arith.constant 0 : i32
          %ne3A_281 = arith.cmpi ne, %rem3A_279, %ne3A_280 : i32
          %and3A_282 = arith.andi %ne3A_278, %ne3A_281 : i1
          %sub3A_283 = arith.constant 1 : i32
          %sub3A_284 = arith.subi %div3A_263, %sub3A_283 : i32
          %select_n3A_285 = arith.select %and3A_282, %sub3A_284, %div3A_263 : i32
          %get3A_286 = arith.index_cast %select_n3A_285 : i32 to index
          %get3A_287 = arith.constant 0 : index
          %get3A_288 = vector.load %arg4[%get3A_286, %get3A_287] : memref<2500x128xi32, #tpu.memory_space<vmem>>, vector<1x128xi32>
          %jit3A_289 = arith.constant 128 : i32
          %eq3A_290 = arith.constant 0 : i32
          %eq3A_291 = arith.cmpi eq, %jit3A_289, %eq3A_290 : i32
          %jit3A_292 = arith.constant 1 : i32
          %select_n3A_293 = arith.select %eq3A_291, %jit3A_292, %jit3A_289 : i32
          %rem3A_294 = arith.remsi %reduce_min3A_261, %select_n3A_293 : i32
          %ne3A_295 = arith.constant 0 : i32
          %ne3A_296 = arith.cmpi ne, %rem3A_294, %ne3A_295 : i32
          %lt3A_297 = arith.constant 0 : i32
          %lt3A_298 = arith.cmpi slt, %rem3A_294, %lt3A_297 : i32
          %lt3A_299 = arith.constant 0 : i32
          %lt3A_300 = arith.cmpi slt, %select_n3A_293, %lt3A_299 : i32
          %ne3A_301 = arith.xori %lt3A_298, %lt3A_300 : i1
          %and3A_302 = arith.andi %ne3A_301, %ne3A_296 : i1
          %add3A_303 = arith.addi %rem3A_294, %select_n3A_293 : i32
          %select_n3A_304 = arith.select %and3A_302, %add3A_303, %rem3A_294 : i32
          %eq3A_305 = vector.broadcast %select_n3A_304 : i32 to vector<1x128xi32>
          %eq3A_306 = arith.cmpi eq, %iota3A_15, %eq3A_305 : vector<1x128xi32>
          %jit3A_307 = arith.constant 0 : i32
          %broadcast_in_dim3A_308 = vector.broadcast %jit3A_307 : i32 to vector<1x128xi32>
          %select_n3A_309 = arith.select %eq3A_306, %get3A_288, %broadcast_in_dim3A_308 : vector<1x128xi1>, vector<1x128xi32>
          %reduce_sum3A_310 = vector.shape_cast %select_n3A_309 : vector<1x128xi32> to vector<1x1x128xi32>
          %reduce_sum3A_311 = arith.constant dense<0> : vector<1xi32>
          %reduce_sum3A_312 = vector.multi_reduction <add>, %reduce_sum3A_310, %reduce_sum3A_311 [1, 2] : vector<1x1x128xi32> to vector<1xi32>
          %reduce_sum3A_313 = vector.shape_cast %reduce_sum3A_312 : vector<1xi32> to vector<1x1x1xi32>
          %reduce_sum3A_314 = vector.extract %reduce_sum3A_313[0, 0, 0] : i32 from vector<1x1x1xi32>
          %swap3A_315 = arith.index_cast %while3A_253 : i32 to index
          %swap3A_316 = memref.load %arg21[%swap3A_315] : memref<128xi32, #tpu.memory_space<smem>>
          memref.store %reduce_min3A_261, %arg21[%swap3A_315] : memref<128xi32, #tpu.memory_space<smem>>
          %swap3A_317 = arith.index_cast %while3A_253 : i32 to index
          %swap3A_318 = memref.load %arg22[%swap3A_317] : memref<128xi32, #tpu.memory_space<smem>>
          memref.store %reduce_sum3A_314, %arg22[%swap3A_317] : memref<128xi32, #tpu.memory_space<smem>>
          scf.yield %reduce_min3A_261 : i32
        }
        %while3A_166 = arith.constant 1 : i32
        %while3A_167 = scf.for %while3A_253 = %while3A_163 to %while3A_159 step %while3A_166 iter_args(%while3A_254 = %while3A_165) -> (i32)  : i32 {
          %gt3A = vector.broadcast %while3A_254 : i32 to vector<2500x128xi32>
          %gt3A_255 = arith.cmpi sgt, %select_n3A, %gt3A : vector<2500x128xi32>
          %broadcast_in_dim3A_256 = vector.broadcast %while3A : i32 to vector<2500x128xi32>
          %select_n3A_257 = arith.select %gt3A_255, %select_n3A, %broadcast_in_dim3A_256 : vector<2500x128xi1>, vector<2500x128xi32>
          %reduce_min3A = vector.shape_cast %select_n3A_257 : vector<2500x128xi32> to vector<1x2500x128xi32>
          %reduce_min3A_258 = arith.constant dense<2147483647> : vector<1xi32>
          %reduce_min3A_259 = vector.multi_reduction <minsi>, %reduce_min3A, %reduce_min3A_258 [1, 2] : vector<1x2500x128xi32> to vector<1xi32>
          %reduce_min3A_260 = vector.shape_cast %reduce_min3A_259 : vector<1xi32> to vector<1x1x1xi32>
          %reduce_min3A_261 = vector.extract %reduce_min3A_260[0, 0, 0] : i32 from vector<1x1x1xi32>
          %jit3A_262 = arith.constant 128 : i32
          %div3A_263 = arith.divsi %reduce_min3A_261, %jit3A_262 : i32
          %sign3A_264 = arith.constant 0 : i32
          %sign3A_265 = arith.cmpi sgt, %reduce_min3A_261, %sign3A_264 : i32
          %sign3A_266 = arith.extui %sign3A_265 : i1 to i32
          %sign3A_267 = arith.constant 0 : i32
          %sign3A_268 = arith.cmpi slt, %reduce_min3A_261, %sign3A_267 : i32
          %sign3A_269 = arith.extui %sign3A_268 : i1 to i32
          %sign3A_270 = arith.subi %sign3A_266, %sign3A_269 : i32
          %sign3A_271 = arith.constant 0 : i32
          %sign3A_272 = arith.cmpi sgt, %jit3A_262, %sign3A_271 : i32
          %sign3A_273 = arith.extui %sign3A_272 : i1 to i32
          %sign3A_274 = arith.constant 0 : i32
          %sign3A_275 = arith.cmpi slt, %jit3A_262, %sign3A_274 : i32
          %sign3A_276 = arith.extui %sign3A_275 : i1 to i32
          %sign3A_277 = arith.subi %sign3A_273, %sign3A_276 : i32
          %ne3A_278 = arith.cmpi ne, %sign3A_270, %sign3A_277 : i32
          %rem3A_279 = arith.remsi %reduce_min3A_261, %jit3A_262 : i32
          %ne3A_280 = arith.constant 0 : i32
          %ne3A_281 = arith.cmpi ne, %rem3A_279, %ne3A_280 : i32
          %and3A_282 = arith.andi %ne3A_278, %ne3A_281 : i1
          %sub3A_283 = arith.constant 1 : i32
          %sub3A_284 = arith.subi %div3A_263, %sub3A_283 : i32
          %select_n3A_285 = arith.select %and3A_282, %sub3A_284, %div3A_263 : i32
          %get3A_286 = arith.index_cast %select_n3A_285 : i32 to index
          %get3A_287 = arith.constant 0 : index
          %get3A_288 = vector.load %arg4[%get3A_286, %get3A_287] : memref<2500x128xi32, #tpu.memory_space<vmem>>, vector<1x128xi32>
          %jit3A_289 = arith.constant 128 : i32
          %eq3A_290 = arith.constant 0 : i32
          %eq3A_291 = arith.cmpi eq, %jit3A_289, %eq3A_290 : i32
          %jit3A_292 = arith.constant 1 : i32
          %select_n3A_293 = arith.select %eq3A_291, %jit3A_292, %jit3A_289 : i32
          %rem3A_294 = arith.remsi %reduce_min3A_261, %select_n3A_293 : i32
          %ne3A_295 = arith.constant 0 : i32
          %ne3A_296 = arith.cmpi ne, %rem3A_294, %ne3A_295 : i32
          %lt3A_297 = arith.constant 0 : i32
          %lt3A_298 = arith.cmpi slt, %rem3A_294, %lt3A_297 : i32
          %lt3A_299 = arith.constant 0 : i32
          %lt3A_300 = arith.cmpi slt, %select_n3A_293, %lt3A_299 : i32
          %ne3A_301 = arith.xori %lt3A_298, %lt3A_300 : i1
          %and3A_302 = arith.andi %ne3A_301, %ne3A_296 : i1
          %add3A_303 = arith.addi %rem3A_294, %select_n3A_293 : i32
          %select_n3A_304 = arith.select %and3A_302, %add3A_303, %rem3A_294 : i32
          %eq3A_305 = vector.broadcast %select_n3A_304 : i32 to vector<1x128xi32>
          %eq3A_306 = arith.cmpi eq, %iota3A_15, %eq3A_305 : vector<1x128xi32>
          %jit3A_307 = arith.constant 0 : i32
          %broadcast_in_dim3A_308 = vector.broadcast %jit3A_307 : i32 to vector<1x128xi32>
          %select_n3A_309 = arith.select %eq3A_306, %get3A_288, %broadcast_in_dim3A_308 : vector<1x128xi1>, vector<1x128xi32>
          %reduce_sum3A_310 = vector.shape_cast %select_n3A_309 : vector<1x128xi32> to vector<1x1x128xi32>
          %reduce_sum3A_311 = arith.constant dense<0> : vector<1xi32>
          %reduce_sum3A_312 = vector.multi_reduction <add>, %reduce_sum3A_310, %reduce_sum3A_311 [1, 2] : vector<1x1x128xi32> to vector<1xi32>
          %reduce_sum3A_313 = vector.shape_cast %reduce_sum3A_312 : vector<1xi32> to vector<1x1x1xi32>
          %reduce_sum3A_314 = vector.extract %reduce_sum3A_313[0, 0, 0] : i32 from vector<1x1x1xi32>
          %swap3A_315 = arith.index_cast %while3A_253 : i32 to index
          %swap3A_316 = memref.load %arg21[%swap3A_315] : memref<128xi32, #tpu.memory_space<smem>>
          memref.store %reduce_min3A_261, %arg21[%swap3A_315] : memref<128xi32, #tpu.memory_space<smem>>
          %swap3A_317 = arith.index_cast %while3A_253 : i32 to index
          %swap3A_318 = memref.load %arg22[%swap3A_317] : memref<128xi32, #tpu.memory_space<smem>>
          memref.store %reduce_sum3A_314, %arg22[%swap3A_317] : memref<128xi32, #tpu.memory_space<smem>>
          scf.yield %reduce_min3A_261 : i32
        }
        %while3A_168 = arith.constant 0 : i32
        %while3A_169 = arith.constant 0 : i32
        %while3A_170 = arith.subi %min3A_156, %while3A_168 : i32
        %while3A_171 = arith.addi %while3A_168, %while3A_170 : i32
        %while3A_172 = arith.constant 1 : i32
        %while3A_173 = arith.divsi %while3A_170, %while3A_172 : i32
        %while3A_174 = arith.muli %while3A_173, %while3A_172 : i32
        %while3A_175 = arith.addi %while3A_168, %while3A_174 : i32
        %while3A_176 = arith.constant 1 : i32
        %while3A_177 = scf.for %while3A_253 = %while3A_168 to %while3A_175 step %while3A_176 iter_args(%while3A_254 = %while3A_169) -> (i32)  : i32 {
          %get3A_255 = arith.index_cast %while3A_253 : i32 to index
          %get3A_256 = memref.load %arg22[%get3A_255] : memref<128xi32, #tpu.memory_space<smem>>
          %get3A_257 = arith.index_cast %get3A_256 : i32 to index
          %get3A_258 = arith.constant 0 : index
          %get3A_259 = vector.load %arg5[%get3A_257, %get3A_258] : memref<10000x128xf32, #tpu.memory_space<vmem>>, vector<1x128xf32>
          %swap3A_260 = arith.index_cast %while3A_253 : i32 to index
          %swap3A_261 = arith.constant 0 : index
          %swap3A_262 = vector.load %arg19[%swap3A_260, %swap3A_261] : memref<128x128xf32, #tpu.memory_space<vmem>>, vector<1x128xf32>
          tpu.vector_store %arg19[%swap3A_260, %swap3A_261], %get3A_259 {strides = array<i32>} : memref<128x128xf32, #tpu.memory_space<vmem>>, vector<1x128xf32>,
          %get3A_263 = arith.index_cast %while3A_253 : i32 to index
          %get3A_264 = memref.load %arg21[%get3A_263] : memref<128xi32, #tpu.memory_space<smem>>
          %dma_start3A = arith.constant 0 : i32
          %dma_start3A_265 = tpu.memref_slice %arg20[%while3A_253, %dma_start3A] : memref<128x9xf32, #tpu.memory_space<vmem>> -> memref<1x9xf32, #tpu.memory_space<vmem>>
          %dma_start3A_266 = arith.constant 0 : i32
          %dma_start3A_267 = tpu.memref_slice %arg2[%get3A_264, %dma_start3A_266] : memref<320000x9xf32, #tpu.memory_space<any>> -> memref<1x9xf32, #tpu.memory_space<any>>
          tpu.enqueue_dma source(%dma_start3A_267 : memref<1x9xf32, #tpu.memory_space<any>>) target(%dma_start3A_265 : memref<1x9xf32, #tpu.memory_space<vmem>>) target_semaphore(%arg23 : memref<!tpu.dma_semaphore, #tpu.memory_space<semaphore_mem>>)
          %while3A_268 = arith.constant 0 : i32
          scf.yield %while3A_268 : i32
        }
        %while3A_178 = arith.constant 1 : i32
        %while3A_179 = scf.for %while3A_253 = %while3A_175 to %while3A_171 step %while3A_178 iter_args(%while3A_254 = %while3A_177) -> (i32)  : i32 {
          %get3A_255 = arith.index_cast %while3A_253 : i32 to index
          %get3A_256 = memref.load %arg22[%get3A_255] : memref<128xi32, #tpu.memory_space<smem>>
          %get3A_257 = arith.index_cast %get3A_256 : i32 to index
          %get3A_258 = arith.constant 0 : index
          %get3A_259 = vector.load %arg5[%get3A_257, %get3A_258] : memref<10000x128xf32, #tpu.memory_space<vmem>>, vector<1x128xf32>
          %swap3A_260 = arith.index_cast %while3A_253 : i32 to index
          %swap3A_261 = arith.constant 0 : index
          %swap3A_262 = vector.load %arg19[%swap3A_260, %swap3A_261] : memref<128x128xf32, #tpu.memory_space<vmem>>, vector<1x128xf32>
          tpu.vector_store %arg19[%swap3A_260, %swap3A_261], %get3A_259 {strides = array<i32>} : memref<128x128xf32, #tpu.memory_space<vmem>>, vector<1x128xf32>,
          %get3A_263 = arith.index_cast %while3A_253 : i32 to index
          %get3A_264 = memref.load %arg21[%get3A_263] : memref<128xi32, #tpu.memory_space<smem>>
          %dma_start3A = arith.constant 0 : i32
          %dma_start3A_265 = tpu.memref_slice %arg20[%while3A_253, %dma_start3A] : memref<128x9xf32, #tpu.memory_space<vmem>> -> memref<1x9xf32, #tpu.memory_space<vmem>>
          %dma_start3A_266 = arith.constant 0 : i32
          %dma_start3A_267 = tpu.memref_slice %arg2[%get3A_264, %dma_start3A_266] : memref<320000x9xf32, #tpu.memory_space<any>> -> memref<1x9xf32, #tpu.memory_space<any>>
          tpu.enqueue_dma source(%dma_start3A_267 : memref<1x9xf32, #tpu.memory_space<any>>) target(%dma_start3A_265 : memref<1x9xf32, #tpu.memory_space<vmem>>) target_semaphore(%arg23 : memref<!tpu.dma_semaphore, #tpu.memory_space<semaphore_mem>>)
          %while3A_268 = arith.constant 0 : i32
          scf.yield %while3A_268 : i32
        }
        %while3A_180 = arith.constant 0 : i32
        %while3A_181 = arith.constant 0 : i32
        %while3A_182 = arith.subi %min3A_156, %while3A_180 : i32
        %while3A_183 = arith.addi %while3A_180, %while3A_182 : i32
        %while3A_184 = arith.constant 1 : i32
        %while3A_185 = arith.divsi %while3A_182, %while3A_184 : i32
        %while3A_186 = arith.muli %while3A_185, %while3A_184 : i32
        %while3A_187 = arith.addi %while3A_180, %while3A_186 : i32
        %while3A_188 = arith.constant 1 : i32
        %while3A_189 = scf.for %while3A_253 = %while3A_180 to %while3A_187 step %while3A_188 iter_args(%while3A_254 = %while3A_181) -> (i32)  : i32 {
          %dma_wait3A = arith.constant 0 : i32
          %dma_wait3A_255 = arith.constant 0 : i32
          %dma_wait3A_256 = tpu.memref_slice %arg20[%dma_wait3A, %dma_wait3A_255] : memref<128x9xf32, #tpu.memory_space<vmem>> -> memref<1x9xf32, #tpu.memory_space<vmem>>
          %dma_wait3A_257 = arith.constant 0 : i32
          %dma_wait3A_258 = arith.constant 0 : i32
          %dma_wait3A_259 = tpu.memref_slice %arg2[%dma_wait3A_257, %dma_wait3A_258] : memref<320000x9xf32, #tpu.memory_space<any>> -> memref<1x9xf32, #tpu.memory_space<any>>
          tpu.wait_dma2 semaphore(%arg23 : memref<!tpu.dma_semaphore, #tpu.memory_space<semaphore_mem>>) src(%dma_wait3A_259 : memref<1x9xf32, #tpu.memory_space<any>>) dst(%dma_wait3A_256 : memref<1x9xf32, #tpu.memory_space<vmem>>)
          %while3A_260 = arith.constant 0 : i32
          scf.yield %while3A_260 : i32
        }
        %while3A_190 = arith.constant 1 : i32
        %while3A_191 = scf.for %while3A_253 = %while3A_187 to %while3A_183 step %while3A_190 iter_args(%while3A_254 = %while3A_189) -> (i32)  : i32 {
          %dma_wait3A = arith.constant 0 : i32
          %dma_wait3A_255 = arith.constant 0 : i32
          %dma_wait3A_256 = tpu.memref_slice %arg20[%dma_wait3A, %dma_wait3A_255] : memref<128x9xf32, #tpu.memory_space<vmem>> -> memref<1x9xf32, #tpu.memory_space<vmem>>
          %dma_wait3A_257 = arith.constant 0 : i32
          %dma_wait3A_258 = arith.constant 0 : i32
          %dma_wait3A_259 = tpu.memref_slice %arg2[%dma_wait3A_257, %dma_wait3A_258] : memref<320000x9xf32, #tpu.memory_space<any>> -> memref<1x9xf32, #tpu.memory_space<any>>
          tpu.wait_dma2 semaphore(%arg23 : memref<!tpu.dma_semaphore, #tpu.memory_space<semaphore_mem>>) src(%dma_wait3A_259 : memref<1x9xf32, #tpu.memory_space<any>>) dst(%dma_wait3A_256 : memref<1x9xf32, #tpu.memory_space<vmem>>)
          %while3A_260 = arith.constant 0 : i32
          scf.yield %while3A_260 : i32
        }
        %get3A_192 = arith.constant 0 : index
        %get3A_193 = arith.constant 0 : index
        %get3A_194 = vector.load %arg19[%get3A_192, %get3A_193] : memref<128x128xf32, #tpu.memory_space<vmem>>, vector<128x128xf32>
        %dot_general3A_195 = arith.constant dense<0.000000e+00> : vector<128x128xf32>
        %dot_general3A_196 = tpu.matmul %get3A_194, %get3A_18, %dot_general3A_195 {dimension_numbers = #tpu.dot_dimension_numbers<[1], [0], [0], [1], [0, 0, 1, 1], [], []>, precision = #tpu.contract_precision<fp32>, transpose_lhs_hint = false} : vector<128x128xf32>, vector<128x128xf32>, vector<128x128xf32> -> vector<128x128xf32>
        %add3A_197 = vector.broadcast %get3A_21 : vector<1x128xf32> to vector<128x128xf32>
        %add3A_198 = arith.addf %dot_general3A_196, %add3A_197 : vector<128x128xf32>
        %max3A_199 = arith.constant 0.000000e+00 : f32
        %max3A_200 = vector.broadcast %max3A_199 : f32 to vector<128x128xf32>
        %max3A_201 = arith.maximumf %add3A_198, %max3A_200 : vector<128x128xf32>
        %dot_general3A_202 = arith.constant dense<0.000000e+00> : vector<128x512xf32>
        %dot_general3A_203 = tpu.matmul %max3A_201, %get3A_24, %dot_general3A_202 {dimension_numbers = #tpu.dot_dimension_numbers<[1], [0], [0], [1], [0, 0, 1, 1], [], []>, precision = #tpu.contract_precision<fp32>, transpose_lhs_hint = false} : vector<128x128xf32>, vector<128x512xf32>, vector<128x512xf32> -> vector<128x512xf32>
        %add3A_204 = vector.broadcast %get3A_27 : vector<1x512xf32> to vector<128x512xf32>
        %add3A_205 = arith.addf %dot_general3A_203, %add3A_204 : vector<128x512xf32>
        %get3A_206 = arith.constant 0 : index
        %get3A_207 = arith.constant 0 : index
        %get3A_208 = vector.load %arg20[%get3A_206, %get3A_207] : memref<128x9xf32, #tpu.memory_space<vmem>>, vector<128x9xf32>
        %get3A_209 = arith.constant 0 : index
        %get3A_210 = arith.constant 0 : index
        %get3A_211 = vector.load %arg12[%get3A_209, %get3A_210] : memref<9x512xf32, #tpu.memory_space<vmem>>, vector<9x512xf32>
        %dot_general3A_212 = arith.constant dense<0.000000e+00> : vector<128x512xf32>
        %dot_general3A_213 = tpu.matmul %get3A_208, %get3A_211, %dot_general3A_212 {dimension_numbers = #tpu.dot_dimension_numbers<[1], [0], [0], [1], [0, 0, 1, 1], [], []>, precision = #tpu.contract_precision<fp32>, transpose_lhs_hint = false} : vector<128x9xf32>, vector<9x512xf32>, vector<128x512xf32> -> vector<128x512xf32>
        %add3A_214 = vector.broadcast %add3A_52 : vector<1x512xf32> to vector<128x512xf32>
        %add3A_215 = arith.addf %add3A_205, %add3A_214 : vector<128x512xf32>
        %add3A_216 = arith.addf %add3A_215, %dot_general3A_213 : vector<128x512xf32>
        %ge3A_217 = arith.constant 0.000000e+00 : f32
        %ge3A_218 = vector.broadcast %ge3A_217 : f32 to vector<128x512xf32>
        %ge3A_219 = arith.cmpf oge, %add3A_216, %ge3A_218 : vector<128x512xf32>
        %mul3A_220 = arith.constant 2.000000e-01 : f32
        %mul3A_221 = vector.broadcast %mul3A_220 : f32 to vector<128x512xf32>
        %mul3A_222 = arith.mulf %mul3A_221, %add3A_216 : vector<128x512xf32>
        %select_n3A_223 = arith.select %ge3A_219, %add3A_216, %mul3A_222 : vector<128x512xi1>, vector<128x512xf32>
        %mul3A_224 = vector.broadcast %get3A_30 : vector<1x512xf32> to vector<128x512xf32>
        %mul3A_225 = arith.mulf %select_n3A_223, %mul3A_224 : vector<128x512xf32>
        %dot_general3A_226 = arith.constant dense<0.000000e+00> : vector<128x4xf32>
        %dot_general3A_227 = tpu.matmul %mul3A_225, %get3A_33, %dot_general3A_226 {dimension_numbers = #tpu.dot_dimension_numbers<[1], [0], [0], [1], [0, 0, 1, 1], [], []>, precision = #tpu.contract_precision<fp32>, transpose_lhs_hint = false} : vector<128x512xf32>, vector<512x4xf32>, vector<128x4xf32> -> vector<128x4xf32>
        %dot_general3A_228 = arith.constant dense<0.000000e+00> : vector<128x512xf32>
        %dot_general3A_229 = tpu.matmul %dot_general3A_227, %get3A_36, %dot_general3A_228 {dimension_numbers = #tpu.dot_dimension_numbers<[1], [0], [0], [1], [0, 0, 1, 1], [], []>, precision = #tpu.contract_precision<fp32>, transpose_lhs_hint = false} : vector<128x4xf32>, vector<4x512xf32>, vector<128x512xf32> -> vector<128x512xf32>
        %iota3A_230 = tpu.iota {dimensions = array<i32: 0>} : vector<128x512xi32>
        %lt3A = vector.broadcast %min3A_156 : i32 to vector<128x512xi32>
        %lt3A_231 = arith.cmpi slt, %iota3A_230, %lt3A : vector<128x512xi32>
        %jit3A_232 = arith.constant -1.000000e+30 : f32
        %broadcast_in_dim3A_233 = vector.broadcast %jit3A_232 : f32 to vector<128x512xf32>
        %select_n3A_234 = arith.select %lt3A_231, %dot_general3A_229, %broadcast_in_dim3A_233 : vector<128x512xi1>, vector<128x512xf32>
        %reduce_max3A = arith.constant dense<0xFF800000> : vector<512xf32>
        %reduce_max3A_235 = vector.multi_reduction <maximumf>, %select_n3A_234, %reduce_max3A [0] : vector<128x512xf32> to vector<512xf32>
        %broadcast_in_dim3A_236 = vector.shape_cast %reduce_max3A_235 : vector<512xf32> to vector<1x512xf32>
        %max3A_237 = arith.maximumf %while3A_150, %broadcast_in_dim3A_236 : vector<1x512xf32>
        %sub3A_238 = vector.broadcast %max3A_237 : vector<1x512xf32> to vector<128x512xf32>
        %sub3A_239 = arith.subf %select_n3A_234, %sub3A_238 : vector<128x512xf32>
        %exp3A = math.exp %sub3A_239 : vector<128x512xf32>
        %sub3A_240 = arith.subf %while3A_150, %max3A_237 : vector<1x512xf32>
        %exp3A_241 = math.exp %sub3A_240 : vector<1x512xf32>
        %mul3A_242 = arith.mulf %while3A_151, %exp3A_241 : vector<1x512xf32>
        %reduce_sum3A_243 = arith.constant dense<0.000000e+00> : vector<512xf32>
        %reduce_sum3A_244 = vector.multi_reduction <add>, %exp3A, %reduce_sum3A_243 [0] : vector<128x512xf32> to vector<512xf32>
        %broadcast_in_dim3A_245 = vector.shape_cast %reduce_sum3A_244 : vector<512xf32> to vector<1x512xf32>
        %add3A_246 = arith.addf %mul3A_242, %broadcast_in_dim3A_245 : vector<1x512xf32>
        %mul3A_247 = arith.mulf %while3A_152, %exp3A_241 : vector<1x512xf32>
        %mul3A_248 = arith.mulf %exp3A, %add3A_205 : vector<128x512xf32>
        %reduce_sum3A_249 = arith.constant dense<0.000000e+00> : vector<512xf32>
        %reduce_sum3A_250 = vector.multi_reduction <add>, %mul3A_248, %reduce_sum3A_249 [0] : vector<128x512xf32> to vector<512xf32>
        %broadcast_in_dim3A_251 = vector.shape_cast %reduce_sum3A_250 : vector<512xf32> to vector<1x512xf32>
        %add3A_252 = arith.addf %mul3A_247, %broadcast_in_dim3A_251 : vector<1x512xf32>
        scf.yield %while3A_167, %max3A_237, %add3A_246, %add3A_252 : i32, vector<1x512xf32>, vector<1x512xf32>, vector<1x512xf32>
      }
      %while3A_127 = arith.constant 1 : i32
      %while3A_128:4 = scf.for %while3A_148 = %while3A_124 to %while3A_120 step %while3A_127 iter_args(%while3A_149 = %while3A_126#0, %while3A_150 = %while3A_126#1, %while3A_151 = %while3A_126#2, %while3A_152 = %while3A_126#3) -> (i32, vector<1x512xf32>, vector<1x512xf32>, vector<1x512xf32>)  : i32 {
        %mul3A_153 = arith.constant 128 : i32
        %mul3A_154 = arith.muli %while3A_148, %mul3A_153 : i32
        %sub3A_155 = arith.subi %reduce_sum3A_11, %mul3A_154 : i32
        %min3A = arith.constant 128 : i32
        %min3A_156 = arith.minsi %sub3A_155, %min3A : i32
        %while3A_157 = arith.constant 0 : i32
        %while3A_158 = arith.subi %min3A_156, %while3A_157 : i32
        %while3A_159 = arith.addi %while3A_157, %while3A_158 : i32
        %while3A_160 = arith.constant 1 : i32
        %while3A_161 = arith.divsi %while3A_158, %while3A_160 : i32
        %while3A_162 = arith.muli %while3A_161, %while3A_160 : i32
        %while3A_163 = arith.addi %while3A_157, %while3A_162 : i32
        %while3A_164 = arith.constant 1 : i32
        %while3A_165 = scf.for %while3A_253 = %while3A_157 to %while3A_163 step %while3A_164 iter_args(%while3A_254 = %while3A_149) -> (i32)  : i32 {
          %gt3A = vector.broadcast %while3A_254 : i32 to vector<2500x128xi32>
          %gt3A_255 = arith.cmpi sgt, %select_n3A, %gt3A : vector<2500x128xi32>
          %broadcast_in_dim3A_256 = vector.broadcast %while3A : i32 to vector<2500x128xi32>
          %select_n3A_257 = arith.select %gt3A_255, %select_n3A, %broadcast_in_dim3A_256 : vector<2500x128xi1>, vector<2500x128xi32>
          %reduce_min3A = vector.shape_cast %select_n3A_257 : vector<2500x128xi32> to vector<1x2500x128xi32>
          %reduce_min3A_258 = arith.constant dense<2147483647> : vector<1xi32>
          %reduce_min3A_259 = vector.multi_reduction <minsi>, %reduce_min3A, %reduce_min3A_258 [1, 2] : vector<1x2500x128xi32> to vector<1xi32>
          %reduce_min3A_260 = vector.shape_cast %reduce_min3A_259 : vector<1xi32> to vector<1x1x1xi32>
          %reduce_min3A_261 = vector.extract %reduce_min3A_260[0, 0, 0] : i32 from vector<1x1x1xi32>
          %jit3A_262 = arith.constant 128 : i32
          %div3A_263 = arith.divsi %reduce_min3A_261, %jit3A_262 : i32
          %sign3A_264 = arith.constant 0 : i32
          %sign3A_265 = arith.cmpi sgt, %reduce_min3A_261, %sign3A_264 : i32
          %sign3A_266 = arith.extui %sign3A_265 : i1 to i32
          %sign3A_267 = arith.constant 0 : i32
          %sign3A_268 = arith.cmpi slt, %reduce_min3A_261, %sign3A_267 : i32
          %sign3A_269 = arith.extui %sign3A_268 : i1 to i32
          %sign3A_270 = arith.subi %sign3A_266, %sign3A_269 : i32
          %sign3A_271 = arith.constant 0 : i32
          %sign3A_272 = arith.cmpi sgt, %jit3A_262, %sign3A_271 : i32
          %sign3A_273 = arith.extui %sign3A_272 : i1 to i32
          %sign3A_274 = arith.constant 0 : i32
          %sign3A_275 = arith.cmpi slt, %jit3A_262, %sign3A_274 : i32
          %sign3A_276 = arith.extui %sign3A_275 : i1 to i32
          %sign3A_277 = arith.subi %sign3A_273, %sign3A_276 : i32
          %ne3A_278 = arith.cmpi ne, %sign3A_270, %sign3A_277 : i32
          %rem3A_279 = arith.remsi %reduce_min3A_261, %jit3A_262 : i32
          %ne3A_280 = arith.constant 0 : i32
          %ne3A_281 = arith.cmpi ne, %rem3A_279, %ne3A_280 : i32
          %and3A_282 = arith.andi %ne3A_278, %ne3A_281 : i1
          %sub3A_283 = arith.constant 1 : i32
          %sub3A_284 = arith.subi %div3A_263, %sub3A_283 : i32
          %select_n3A_285 = arith.select %and3A_282, %sub3A_284, %div3A_263 : i32
          %get3A_286 = arith.index_cast %select_n3A_285 : i32 to index
          %get3A_287 = arith.constant 0 : index
          %get3A_288 = vector.load %arg4[%get3A_286, %get3A_287] : memref<2500x128xi32, #tpu.memory_space<vmem>>, vector<1x128xi32>
          %jit3A_289 = arith.constant 128 : i32
          %eq3A_290 = arith.constant 0 : i32
          %eq3A_291 = arith.cmpi eq, %jit3A_289, %eq3A_290 : i32
          %jit3A_292 = arith.constant 1 : i32
          %select_n3A_293 = arith.select %eq3A_291, %jit3A_292, %jit3A_289 : i32
          %rem3A_294 = arith.remsi %reduce_min3A_261, %select_n3A_293 : i32
          %ne3A_295 = arith.constant 0 : i32
          %ne3A_296 = arith.cmpi ne, %rem3A_294, %ne3A_295 : i32
          %lt3A_297 = arith.constant 0 : i32
          %lt3A_298 = arith.cmpi slt, %rem3A_294, %lt3A_297 : i32
          %lt3A_299 = arith.constant 0 : i32
          %lt3A_300 = arith.cmpi slt, %select_n3A_293, %lt3A_299 : i32
          %ne3A_301 = arith.xori %lt3A_298, %lt3A_300 : i1
          %and3A_302 = arith.andi %ne3A_301, %ne3A_296 : i1
          %add3A_303 = arith.addi %rem3A_294, %select_n3A_293 : i32
          %select_n3A_304 = arith.select %and3A_302, %add3A_303, %rem3A_294 : i32
          %eq3A_305 = vector.broadcast %select_n3A_304 : i32 to vector<1x128xi32>
          %eq3A_306 = arith.cmpi eq, %iota3A_15, %eq3A_305 : vector<1x128xi32>
          %jit3A_307 = arith.constant 0 : i32
          %broadcast_in_dim3A_308 = vector.broadcast %jit3A_307 : i32 to vector<1x128xi32>
          %select_n3A_309 = arith.select %eq3A_306, %get3A_288, %broadcast_in_dim3A_308 : vector<1x128xi1>, vector<1x128xi32>
          %reduce_sum3A_310 = vector.shape_cast %select_n3A_309 : vector<1x128xi32> to vector<1x1x128xi32>
          %reduce_sum3A_311 = arith.constant dense<0> : vector<1xi32>
          %reduce_sum3A_312 = vector.multi_reduction <add>, %reduce_sum3A_310, %reduce_sum3A_311 [1, 2] : vector<1x1x128xi32> to vector<1xi32>
          %reduce_sum3A_313 = vector.shape_cast %reduce_sum3A_312 : vector<1xi32> to vector<1x1x1xi32>
          %reduce_sum3A_314 = vector.extract %reduce_sum3A_313[0, 0, 0] : i32 from vector<1x1x1xi32>
          %swap3A_315 = arith.index_cast %while3A_253 : i32 to index
          %swap3A_316 = memref.load %arg21[%swap3A_315] : memref<128xi32, #tpu.memory_space<smem>>
          memref.store %reduce_min3A_261, %arg21[%swap3A_315] : memref<128xi32, #tpu.memory_space<smem>>
          %swap3A_317 = arith.index_cast %while3A_253 : i32 to index
          %swap3A_318 = memref.load %arg22[%swap3A_317] : memref<128xi32, #tpu.memory_space<smem>>
          memref.store %reduce_sum3A_314, %arg22[%swap3A_317] : memref<128xi32, #tpu.memory_space<smem>>
          scf.yield %reduce_min3A_261 : i32
        }
        %while3A_166 = arith.constant 1 : i32
        %while3A_167 = scf.for %while3A_253 = %while3A_163 to %while3A_159 step %while3A_166 iter_args(%while3A_254 = %while3A_165) -> (i32)  : i32 {
          %gt3A = vector.broadcast %while3A_254 : i32 to vector<2500x128xi32>
          %gt3A_255 = arith.cmpi sgt, %select_n3A, %gt3A : vector<2500x128xi32>
          %broadcast_in_dim3A_256 = vector.broadcast %while3A : i32 to vector<2500x128xi32>
          %select_n3A_257 = arith.select %gt3A_255, %select_n3A, %broadcast_in_dim3A_256 : vector<2500x128xi1>, vector<2500x128xi32>
          %reduce_min3A = vector.shape_cast %select_n3A_257 : vector<2500x128xi32> to vector<1x2500x128xi32>
          %reduce_min3A_258 = arith.constant dense<2147483647> : vector<1xi32>
          %reduce_min3A_259 = vector.multi_reduction <minsi>, %reduce_min3A, %reduce_min3A_258 [1, 2] : vector<1x2500x128xi32> to vector<1xi32>
          %reduce_min3A_260 = vector.shape_cast %reduce_min3A_259 : vector<1xi32> to vector<1x1x1xi32>
          %reduce_min3A_261 = vector.extract %reduce_min3A_260[0, 0, 0] : i32 from vector<1x1x1xi32>
          %jit3A_262 = arith.constant 128 : i32
          %div3A_263 = arith.divsi %reduce_min3A_261, %jit3A_262 : i32
          %sign3A_264 = arith.constant 0 : i32
          %sign3A_265 = arith.cmpi sgt, %reduce_min3A_261, %sign3A_264 : i32
          %sign3A_266 = arith.extui %sign3A_265 : i1 to i32
          %sign3A_267 = arith.constant 0 : i32
          %sign3A_268 = arith.cmpi slt, %reduce_min3A_261, %sign3A_267 : i32
          %sign3A_269 = arith.extui %sign3A_268 : i1 to i32
          %sign3A_270 = arith.subi %sign3A_266, %sign3A_269 : i32
          %sign3A_271 = arith.constant 0 : i32
          %sign3A_272 = arith.cmpi sgt, %jit3A_262, %sign3A_271 : i32
          %sign3A_273 = arith.extui %sign3A_272 : i1 to i32
          %sign3A_274 = arith.constant 0 : i32
          %sign3A_275 = arith.cmpi slt, %jit3A_262, %sign3A_274 : i32
          %sign3A_276 = arith.extui %sign3A_275 : i1 to i32
          %sign3A_277 = arith.subi %sign3A_273, %sign3A_276 : i32
          %ne3A_278 = arith.cmpi ne, %sign3A_270, %sign3A_277 : i32
          %rem3A_279 = arith.remsi %reduce_min3A_261, %jit3A_262 : i32
          %ne3A_280 = arith.constant 0 : i32
          %ne3A_281 = arith.cmpi ne, %rem3A_279, %ne3A_280 : i32
          %and3A_282 = arith.andi %ne3A_278, %ne3A_281 : i1
          %sub3A_283 = arith.constant 1 : i32
          %sub3A_284 = arith.subi %div3A_263, %sub3A_283 : i32
          %select_n3A_285 = arith.select %and3A_282, %sub3A_284, %div3A_263 : i32
          %get3A_286 = arith.index_cast %select_n3A_285 : i32 to index
          %get3A_287 = arith.constant 0 : index
          %get3A_288 = vector.load %arg4[%get3A_286, %get3A_287] : memref<2500x128xi32, #tpu.memory_space<vmem>>, vector<1x128xi32>
          %jit3A_289 = arith.constant 128 : i32
          %eq3A_290 = arith.constant 0 : i32
          %eq3A_291 = arith.cmpi eq, %jit3A_289, %eq3A_290 : i32
          %jit3A_292 = arith.constant 1 : i32
          %select_n3A_293 = arith.select %eq3A_291, %jit3A_292, %jit3A_289 : i32
          %rem3A_294 = arith.remsi %reduce_min3A_261, %select_n3A_293 : i32
          %ne3A_295 = arith.constant 0 : i32
          %ne3A_296 = arith.cmpi ne, %rem3A_294, %ne3A_295 : i32
          %lt3A_297 = arith.constant 0 : i32
          %lt3A_298 = arith.cmpi slt, %rem3A_294, %lt3A_297 : i32
          %lt3A_299 = arith.constant 0 : i32
          %lt3A_300 = arith.cmpi slt, %select_n3A_293, %lt3A_299 : i32
          %ne3A_301 = arith.xori %lt3A_298, %lt3A_300 : i1
          %and3A_302 = arith.andi %ne3A_301, %ne3A_296 : i1
          %add3A_303 = arith.addi %rem3A_294, %select_n3A_293 : i32
          %select_n3A_304 = arith.select %and3A_302, %add3A_303, %rem3A_294 : i32
          %eq3A_305 = vector.broadcast %select_n3A_304 : i32 to vector<1x128xi32>
          %eq3A_306 = arith.cmpi eq, %iota3A_15, %eq3A_305 : vector<1x128xi32>
          %jit3A_307 = arith.constant 0 : i32
          %broadcast_in_dim3A_308 = vector.broadcast %jit3A_307 : i32 to vector<1x128xi32>
          %select_n3A_309 = arith.select %eq3A_306, %get3A_288, %broadcast_in_dim3A_308 : vector<1x128xi1>, vector<1x128xi32>
          %reduce_sum3A_310 = vector.shape_cast %select_n3A_309 : vector<1x128xi32> to vector<1x1x128xi32>
          %reduce_sum3A_311 = arith.constant dense<0> : vector<1xi32>
          %reduce_sum3A_312 = vector.multi_reduction <add>, %reduce_sum3A_310, %reduce_sum3A_311 [1, 2] : vector<1x1x128xi32> to vector<1xi32>
          %reduce_sum3A_313 = vector.shape_cast %reduce_sum3A_312 : vector<1xi32> to vector<1x1x1xi32>
          %reduce_sum3A_314 = vector.extract %reduce_sum3A_313[0, 0, 0] : i32 from vector<1x1x1xi32>
          %swap3A_315 = arith.index_cast %while3A_253 : i32 to index
          %swap3A_316 = memref.load %arg21[%swap3A_315] : memref<128xi32, #tpu.memory_space<smem>>
          memref.store %reduce_min3A_261, %arg21[%swap3A_315] : memref<128xi32, #tpu.memory_space<smem>>
          %swap3A_317 = arith.index_cast %while3A_253 : i32 to index
          %swap3A_318 = memref.load %arg22[%swap3A_317] : memref<128xi32, #tpu.memory_space<smem>>
          memref.store %reduce_sum3A_314, %arg22[%swap3A_317] : memref<128xi32, #tpu.memory_space<smem>>
          scf.yield %reduce_min3A_261 : i32
        }
        %while3A_168 = arith.constant 0 : i32
        %while3A_169 = arith.constant 0 : i32
        %while3A_170 = arith.subi %min3A_156, %while3A_168 : i32
        %while3A_171 = arith.addi %while3A_168, %while3A_170 : i32
        %while3A_172 = arith.constant 1 : i32
        %while3A_173 = arith.divsi %while3A_170, %while3A_172 : i32
        %while3A_174 = arith.muli %while3A_173, %while3A_172 : i32
        %while3A_175 = arith.addi %while3A_168, %while3A_174 : i32
        %while3A_176 = arith.constant 1 : i32
        %while3A_177 = scf.for %while3A_253 = %while3A_168 to %while3A_175 step %while3A_176 iter_args(%while3A_254 = %while3A_169) -> (i32)  : i32 {
          %get3A_255 = arith.index_cast %while3A_253 : i32 to index
          %get3A_256 = memref.load %arg22[%get3A_255] : memref<128xi32, #tpu.memory_space<smem>>
          %get3A_257 = arith.index_cast %get3A_256 : i32 to index
          %get3A_258 = arith.constant 0 : index
          %get3A_259 = vector.load %arg5[%get3A_257, %get3A_258] : memref<10000x128xf32, #tpu.memory_space<vmem>>, vector<1x128xf32>
          %swap3A_260 = arith.index_cast %while3A_253 : i32 to index
          %swap3A_261 = arith.constant 0 : index
          %swap3A_262 = vector.load %arg19[%swap3A_260, %swap3A_261] : memref<128x128xf32, #tpu.memory_space<vmem>>, vector<1x128xf32>
          tpu.vector_store %arg19[%swap3A_260, %swap3A_261], %get3A_259 {strides = array<i32>} : memref<128x128xf32, #tpu.memory_space<vmem>>, vector<1x128xf32>,
          %get3A_263 = arith.index_cast %while3A_253 : i32 to index
          %get3A_264 = memref.load %arg21[%get3A_263] : memref<128xi32, #tpu.memory_space<smem>>
          %dma_start3A = arith.constant 0 : i32
          %dma_start3A_265 = tpu.memref_slice %arg20[%while3A_253, %dma_start3A] : memref<128x9xf32, #tpu.memory_space<vmem>> -> memref<1x9xf32, #tpu.memory_space<vmem>>
          %dma_start3A_266 = arith.constant 0 : i32
          %dma_start3A_267 = tpu.memref_slice %arg2[%get3A_264, %dma_start3A_266] : memref<320000x9xf32, #tpu.memory_space<any>> -> memref<1x9xf32, #tpu.memory_space<any>>
          tpu.enqueue_dma source(%dma_start3A_267 : memref<1x9xf32, #tpu.memory_space<any>>) target(%dma_start3A_265 : memref<1x9xf32, #tpu.memory_space<vmem>>) target_semaphore(%arg23 : memref<!tpu.dma_semaphore, #tpu.memory_space<semaphore_mem>>)
          %while3A_268 = arith.constant 0 : i32
          scf.yield %while3A_268 : i32
        }
        %while3A_178 = arith.constant 1 : i32
        %while3A_179 = scf.for %while3A_253 = %while3A_175 to %while3A_171 step %while3A_178 iter_args(%while3A_254 = %while3A_177) -> (i32)  : i32 {
          %get3A_255 = arith.index_cast %while3A_253 : i32 to index
          %get3A_256 = memref.load %arg22[%get3A_255] : memref<128xi32, #tpu.memory_space<smem>>
          %get3A_257 = arith.index_cast %get3A_256 : i32 to index
          %get3A_258 = arith.constant 0 : index
          %get3A_259 = vector.load %arg5[%get3A_257, %get3A_258] : memref<10000x128xf32, #tpu.memory_space<vmem>>, vector<1x128xf32>
          %swap3A_260 = arith.index_cast %while3A_253 : i32 to index
          %swap3A_261 = arith.constant 0 : index
          %swap3A_262 = vector.load %arg19[%swap3A_260, %swap3A_261] : memref<128x128xf32, #tpu.memory_space<vmem>>, vector<1x128xf32>
          tpu.vector_store %arg19[%swap3A_260, %swap3A_261], %get3A_259 {strides = array<i32>} : memref<128x128xf32, #tpu.memory_space<vmem>>, vector<1x128xf32>,
          %get3A_263 = arith.index_cast %while3A_253 : i32 to index
          %get3A_264 = memref.load %arg21[%get3A_263] : memref<128xi32, #tpu.memory_space<smem>>
          %dma_start3A = arith.constant 0 : i32
          %dma_start3A_265 = tpu.memref_slice %arg20[%while3A_253, %dma_start3A] : memref<128x9xf32, #tpu.memory_space<vmem>> -> memref<1x9xf32, #tpu.memory_space<vmem>>
          %dma_start3A_266 = arith.constant 0 : i32
          %dma_start3A_267 = tpu.memref_slice %arg2[%get3A_264, %dma_start3A_266] : memref<320000x9xf32, #tpu.memory_space<any>> -> memref<1x9xf32, #tpu.memory_space<any>>
          tpu.enqueue_dma source(%dma_start3A_267 : memref<1x9xf32, #tpu.memory_space<any>>) target(%dma_start3A_265 : memref<1x9xf32, #tpu.memory_space<vmem>>) target_semaphore(%arg23 : memref<!tpu.dma_semaphore, #tpu.memory_space<semaphore_mem>>)
          %while3A_268 = arith.constant 0 : i32
          scf.yield %while3A_268 : i32
        }
        %while3A_180 = arith.constant 0 : i32
        %while3A_181 = arith.constant 0 : i32
        %while3A_182 = arith.subi %min3A_156, %while3A_180 : i32
        %while3A_183 = arith.addi %while3A_180, %while3A_182 : i32
        %while3A_184 = arith.constant 1 : i32
        %while3A_185 = arith.divsi %while3A_182, %while3A_184 : i32
        %while3A_186 = arith.muli %while3A_185, %while3A_184 : i32
        %while3A_187 = arith.addi %while3A_180, %while3A_186 : i32
        %while3A_188 = arith.constant 1 : i32
        %while3A_189 = scf.for %while3A_253 = %while3A_180 to %while3A_187 step %while3A_188 iter_args(%while3A_254 = %while3A_181) -> (i32)  : i32 {
          %dma_wait3A = arith.constant 0 : i32
          %dma_wait3A_255 = arith.constant 0 : i32
          %dma_wait3A_256 = tpu.memref_slice %arg20[%dma_wait3A, %dma_wait3A_255] : memref<128x9xf32, #tpu.memory_space<vmem>> -> memref<1x9xf32, #tpu.memory_space<vmem>>
          %dma_wait3A_257 = arith.constant 0 : i32
          %dma_wait3A_258 = arith.constant 0 : i32
          %dma_wait3A_259 = tpu.memref_slice %arg2[%dma_wait3A_257, %dma_wait3A_258] : memref<320000x9xf32, #tpu.memory_space<any>> -> memref<1x9xf32, #tpu.memory_space<any>>
          tpu.wait_dma2 semaphore(%arg23 : memref<!tpu.dma_semaphore, #tpu.memory_space<semaphore_mem>>) src(%dma_wait3A_259 : memref<1x9xf32, #tpu.memory_space<any>>) dst(%dma_wait3A_256 : memref<1x9xf32, #tpu.memory_space<vmem>>)
          %while3A_260 = arith.constant 0 : i32
          scf.yield %while3A_260 : i32
        }
        %while3A_190 = arith.constant 1 : i32
        %while3A_191 = scf.for %while3A_253 = %while3A_187 to %while3A_183 step %while3A_190 iter_args(%while3A_254 = %while3A_189) -> (i32)  : i32 {
          %dma_wait3A = arith.constant 0 : i32
          %dma_wait3A_255 = arith.constant 0 : i32
          %dma_wait3A_256 = tpu.memref_slice %arg20[%dma_wait3A, %dma_wait3A_255] : memref<128x9xf32, #tpu.memory_space<vmem>> -> memref<1x9xf32, #tpu.memory_space<vmem>>
          %dma_wait3A_257 = arith.constant 0 : i32
          %dma_wait3A_258 = arith.constant 0 : i32
          %dma_wait3A_259 = tpu.memref_slice %arg2[%dma_wait3A_257, %dma_wait3A_258] : memref<320000x9xf32, #tpu.memory_space<any>> -> memref<1x9xf32, #tpu.memory_space<any>>
          tpu.wait_dma2 semaphore(%arg23 : memref<!tpu.dma_semaphore, #tpu.memory_space<semaphore_mem>>) src(%dma_wait3A_259 : memref<1x9xf32, #tpu.memory_space<any>>) dst(%dma_wait3A_256 : memref<1x9xf32, #tpu.memory_space<vmem>>)
          %while3A_260 = arith.constant 0 : i32
          scf.yield %while3A_260 : i32
        }
        %get3A_192 = arith.constant 0 : index
        %get3A_193 = arith.constant 0 : index
        %get3A_194 = vector.load %arg19[%get3A_192, %get3A_193] : memref<128x128xf32, #tpu.memory_space<vmem>>, vector<128x128xf32>
        %dot_general3A_195 = arith.constant dense<0.000000e+00> : vector<128x128xf32>
        %dot_general3A_196 = tpu.matmul %get3A_194, %get3A_18, %dot_general3A_195 {dimension_numbers = #tpu.dot_dimension_numbers<[1], [0], [0], [1], [0, 0, 1, 1], [], []>, precision = #tpu.contract_precision<fp32>, transpose_lhs_hint = false} : vector<128x128xf32>, vector<128x128xf32>, vector<128x128xf32> -> vector<128x128xf32>
        %add3A_197 = vector.broadcast %get3A_21 : vector<1x128xf32> to vector<128x128xf32>
        %add3A_198 = arith.addf %dot_general3A_196, %add3A_197 : vector<128x128xf32>
        %max3A_199 = arith.constant 0.000000e+00 : f32
        %max3A_200 = vector.broadcast %max3A_199 : f32 to vector<128x128xf32>
        %max3A_201 = arith.maximumf %add3A_198, %max3A_200 : vector<128x128xf32>
        %dot_general3A_202 = arith.constant dense<0.000000e+00> : vector<128x512xf32>
        %dot_general3A_203 = tpu.matmul %max3A_201, %get3A_24, %dot_general3A_202 {dimension_numbers = #tpu.dot_dimension_numbers<[1], [0], [0], [1], [0, 0, 1, 1], [], []>, precision = #tpu.contract_precision<fp32>, transpose_lhs_hint = false} : vector<128x128xf32>, vector<128x512xf32>, vector<128x512xf32> -> vector<128x512xf32>
        %add3A_204 = vector.broadcast %get3A_27 : vector<1x512xf32> to vector<128x512xf32>
        %add3A_205 = arith.addf %dot_general3A_203, %add3A_204 : vector<128x512xf32>
        %get3A_206 = arith.constant 0 : index
        %get3A_207 = arith.constant 0 : index
        %get3A_208 = vector.load %arg20[%get3A_206, %get3A_207] : memref<128x9xf32, #tpu.memory_space<vmem>>, vector<128x9xf32>
        %get3A_209 = arith.constant 0 : index
        %get3A_210 = arith.constant 0 : index
        %get3A_211 = vector.load %arg12[%get3A_209, %get3A_210] : memref<9x512xf32, #tpu.memory_space<vmem>>, vector<9x512xf32>
        %dot_general3A_212 = arith.constant dense<0.000000e+00> : vector<128x512xf32>
        %dot_general3A_213 = tpu.matmul %get3A_208, %get3A_211, %dot_general3A_212 {dimension_numbers = #tpu.dot_dimension_numbers<[1], [0], [0], [1], [0, 0, 1, 1], [], []>, precision = #tpu.contract_precision<fp32>, transpose_lhs_hint = false} : vector<128x9xf32>, vector<9x512xf32>, vector<128x512xf32> -> vector<128x512xf32>
        %add3A_214 = vector.broadcast %add3A_52 : vector<1x512xf32> to vector<128x512xf32>
        %add3A_215 = arith.addf %add3A_205, %add3A_214 : vector<128x512xf32>
        %add3A_216 = arith.addf %add3A_215, %dot_general3A_213 : vector<128x512xf32>
        %ge3A_217 = arith.constant 0.000000e+00 : f32
        %ge3A_218 = vector.broadcast %ge3A_217 : f32 to vector<128x512xf32>
        %ge3A_219 = arith.cmpf oge, %add3A_216, %ge3A_218 : vector<128x512xf32>
        %mul3A_220 = arith.constant 2.000000e-01 : f32
        %mul3A_221 = vector.broadcast %mul3A_220 : f32 to vector<128x512xf32>
        %mul3A_222 = arith.mulf %mul3A_221, %add3A_216 : vector<128x512xf32>
        %select_n3A_223 = arith.select %ge3A_219, %add3A_216, %mul3A_222 : vector<128x512xi1>, vector<128x512xf32>
        %mul3A_224 = vector.broadcast %get3A_30 : vector<1x512xf32> to vector<128x512xf32>
        %mul3A_225 = arith.mulf %select_n3A_223, %mul3A_224 : vector<128x512xf32>
        %dot_general3A_226 = arith.constant dense<0.000000e+00> : vector<128x4xf32>
        %dot_general3A_227 = tpu.matmul %mul3A_225, %get3A_33, %dot_general3A_226 {dimension_numbers = #tpu.dot_dimension_numbers<[1], [0], [0], [1], [0, 0, 1, 1], [], []>, precision = #tpu.contract_precision<fp32>, transpose_lhs_hint = false} : vector<128x512xf32>, vector<512x4xf32>, vector<128x4xf32> -> vector<128x4xf32>
        %dot_general3A_228 = arith.constant dense<0.000000e+00> : vector<128x512xf32>
        %dot_general3A_229 = tpu.matmul %dot_general3A_227, %get3A_36, %dot_general3A_228 {dimension_numbers = #tpu.dot_dimension_numbers<[1], [0], [0], [1], [0, 0, 1, 1], [], []>, precision = #tpu.contract_precision<fp32>, transpose_lhs_hint = false} : vector<128x4xf32>, vector<4x512xf32>, vector<128x512xf32> -> vector<128x512xf32>
        %iota3A_230 = tpu.iota {dimensions = array<i32: 0>} : vector<128x512xi32>
        %lt3A = vector.broadcast %min3A_156 : i32 to vector<128x512xi32>
        %lt3A_231 = arith.cmpi slt, %iota3A_230, %lt3A : vector<128x512xi32>
        %jit3A_232 = arith.constant -1.000000e+30 : f32
        %broadcast_in_dim3A_233 = vector.broadcast %jit3A_232 : f32 to vector<128x512xf32>
        %select_n3A_234 = arith.select %lt3A_231, %dot_general3A_229, %broadcast_in_dim3A_233 : vector<128x512xi1>, vector<128x512xf32>
        %reduce_max3A = arith.constant dense<0xFF800000> : vector<512xf32>
        %reduce_max3A_235 = vector.multi_reduction <maximumf>, %select_n3A_234, %reduce_max3A [0] : vector<128x512xf32> to vector<512xf32>
        %broadcast_in_dim3A_236 = vector.shape_cast %reduce_max3A_235 : vector<512xf32> to vector<1x512xf32>
        %max3A_237 = arith.maximumf %while3A_150, %broadcast_in_dim3A_236 : vector<1x512xf32>
        %sub3A_238 = vector.broadcast %max3A_237 : vector<1x512xf32> to vector<128x512xf32>
        %sub3A_239 = arith.subf %select_n3A_234, %sub3A_238 : vector<128x512xf32>
        %exp3A = math.exp %sub3A_239 : vector<128x512xf32>
        %sub3A_240 = arith.subf %while3A_150, %max3A_237 : vector<1x512xf32>
        %exp3A_241 = math.exp %sub3A_240 : vector<1x512xf32>
        %mul3A_242 = arith.mulf %while3A_151, %exp3A_241 : vector<1x512xf32>
        %reduce_sum3A_243 = arith.constant dense<0.000000e+00> : vector<512xf32>
        %reduce_sum3A_244 = vector.multi_reduction <add>, %exp3A, %reduce_sum3A_243 [0] : vector<128x512xf32> to vector<512xf32>
        %broadcast_in_dim3A_245 = vector.shape_cast %reduce_sum3A_244 : vector<512xf32> to vector<1x512xf32>
        %add3A_246 = arith.addf %mul3A_242, %broadcast_in_dim3A_245 : vector<1x512xf32>
        %mul3A_247 = arith.mulf %while3A_152, %exp3A_241 : vector<1x512xf32>
        %mul3A_248 = arith.mulf %exp3A, %add3A_205 : vector<128x512xf32>
        %reduce_sum3A_249 = arith.constant dense<0.000000e+00> : vector<512xf32>
        %reduce_sum3A_250 = vector.multi_reduction <add>, %mul3A_248, %reduce_sum3A_249 [0] : vector<128x512xf32> to vector<512xf32>
        %broadcast_in_dim3A_251 = vector.shape_cast %reduce_sum3A_250 : vector<512xf32> to vector<1x512xf32>
        %add3A_252 = arith.addf %mul3A_247, %broadcast_in_dim3A_251 : vector<1x512xf32>
        scf.yield %while3A_167, %max3A_237, %add3A_246, %add3A_252 : i32, vector<1x512xf32>, vector<1x512xf32>, vector<1x512xf32>
      }
      %add3A_129 = arith.constant 1.000000e-16 : f32
      %add3A_130 = vector.broadcast %add3A_129 : f32 to vector<1x512xf32>
      %add3A_131 = arith.addf %while3A_128#2, %add3A_130 : vector<1x512xf32>
      %div3A_132 = arith.divf %while3A_128#3, %add3A_131 : vector<1x512xf32>
      %get3A_133 = arith.constant 0 : index
      %get3A_134 = arith.constant 0 : index
      %get3A_135 = vector.load %arg16[%get3A_133, %get3A_134] : memref<512x128xf32, #tpu.memory_space<vmem>>, vector<512x128xf32>
      %dot_general3A_136 = arith.constant dense<0.000000e+00> : vector<1x128xf32>
      %dot_general3A_137 = tpu.matmul %div3A_132, %get3A_135, %dot_general3A_136 {dimension_numbers = #tpu.dot_dimension_numbers<[1], [0], [0], [1], [0, 0, 1, 1], [], []>, precision = #tpu.contract_precision<fp32>, transpose_lhs_hint = false} : vector<1x512xf32>, vector<512x128xf32>, vector<1x128xf32> -> vector<1x128xf32>
      %mul3A_138 = arith.constant 2.500000e-01 : f32
      %mul3A_139 = vector.broadcast %mul3A_138 : f32 to vector<1x128xf32>
      %mul3A_140 = arith.mulf %dot_general3A_137, %mul3A_139 : vector<1x128xf32>
      %get3A_141 = arith.constant 0 : index
      %get3A_142 = arith.constant 0 : index
      %get3A_143 = vector.load %arg17[%get3A_141, %get3A_142] : memref<1x128xf32, #tpu.memory_space<vmem>>, vector<1x128xf32>
      %add3A_144 = arith.addf %mul3A_140, %get3A_143 : vector<1x128xf32>
      %swap3A_145 = arith.constant 0 : index
      %swap3A_146 = arith.constant 0 : index
      %swap3A_147 = vector.load %arg18[%swap3A_145, %swap3A_146] : memref<1x128xf32, #tpu.memory_space<vmem>>, vector<1x128xf32>
      tpu.vector_store %arg18[%swap3A_145, %swap3A_146], %add3A_144 {strides = array<i32>} : memref<1x128xf32, #tpu.memory_space<vmem>>, vector<1x128xf32>,
    } else {
    }
    return
  }
  func.func @transform_0(%arg0: i32) -> (i32, i32, i32) {
    %c0_i32 = arith.constant 0 : i32
    %c0_i32_0 = arith.constant 0 : i32
    %c0_i32_1 = arith.constant 0 : i32
    %c0_i32_2 = arith.constant 0 : i32
    return %c0_i32, %c0_i32_0, %c0_i32_1 : i32, i32, i32
  }
  func.func @transform_2(%arg0: i32) -> (i32, i32) {
    %c0_i32 = arith.constant 0 : i32
    %c0_i32_0 = arith.constant 0 : i32
    %c0_i32_1 = arith.constant 0 : i32
    return %c0_i32, %c0_i32_0 : i32, i32
  }
  func.func @transform_3(%arg0: i32) -> (i32, i32) {
    %c0_i32 = arith.constant 0 : i32
    %c0_i32_0 = arith.constant 0 : i32
    %c0_i32_1 = arith.constant 0 : i32
    return %c0_i32, %c0_i32_0 : i32, i32
  }
  func.func @transform_4(%arg0: i32) -> (i32, i32) {
    %c0_i32 = arith.constant 0 : i32
    %c0_i32_0 = arith.constant 0 : i32
    %c0_i32_1 = arith.constant 0 : i32
    return %c0_i32, %c0_i32_0 : i32, i32
  }
  func.func @transform_5(%arg0: i32) -> (i32, i32) {
    %c0_i32 = arith.constant 0 : i32
    %c0_i32_0 = arith.constant 0 : i32
    %c0_i32_1 = arith.constant 0 : i32
    return %c0_i32, %c0_i32_0 : i32, i32
  }
  func.func @transform_6(%arg0: i32) -> (i32, i32) {
    %c0_i32 = arith.constant 0 : i32
    %c0_i32_0 = arith.constant 0 : i32
    %c0_i32_1 = arith.constant 0 : i32
    return %c0_i32, %c0_i32_0 : i32, i32
  }
  func.func @transform_7(%arg0: i32) -> (i32, i32) {
    %c0_i32 = arith.constant 0 : i32
    %c0_i32_0 = arith.constant 0 : i32
    %c0_i32_1 = arith.constant 0 : i32
    return %c0_i32, %c0_i32_0 : i32, i32
  }
  func.func @transform_8(%arg0: i32) -> (i32, i32) {
    %c0_i32 = arith.constant 0 : i32
    %c0_i32_0 = arith.constant 0 : i32
    %c0_i32_1 = arith.constant 0 : i32
    return %c0_i32, %c0_i32_0 : i32, i32
  }
  func.func @transform_9(%arg0: i32) -> (i32, i32) {
    %c0_i32 = arith.constant 0 : i32
    %c0_i32_0 = arith.constant 0 : i32
    %c0_i32_1 = arith.constant 0 : i32
    return %c0_i32, %c0_i32_0 : i32, i32
  }
  func.func @transform_10(%arg0: i32) -> (i32, i32) {
    %c0_i32 = arith.constant 0 : i32
    %c0_i32_0 = arith.constant 0 : i32
    %c0_i32_1 = arith.constant 0 : i32
    return %c0_i32, %c0_i32_0 : i32, i32
  }
  func.func @transform_11(%arg0: i32) -> (i32, i32) {
    %c0_i32 = arith.constant 0 : i32
    %c0_i32_0 = arith.constant 0 : i32
    %c0_i32_1 = arith.constant 0 : i32
    return %c0_i32, %c0_i32_0 : i32, i32
  }
  func.func @transform_12(%arg0: i32) -> (i32, i32) {
    %c0_i32 = arith.constant 0 : i32
    %c0_i32_0 = arith.constant 0 : i32
    %c0_i32_1 = arith.constant 0 : i32
    return %c0_i32, %c0_i32_0 : i32, i32
  }
  func.func @transform_13(%arg0: i32) -> (i32, i32) {
    %c0_i32 = arith.constant 0 : i32
    %c0_i32_0 = arith.constant 0 : i32
    %c0_i32_1 = arith.constant 0 : i32
    return %c0_i32, %c0_i32_0 : i32, i32
  }
  func.func @transform_14(%arg0: i32) -> (i32, i32) {
    %c0_i32 = arith.constant 0 : i32
    %c0_i32_0 = arith.constant 0 : i32
    %c0_i32_1 = arith.constant 0 : i32
    return %c0_i32, %c0_i32_0 : i32, i32
  }
  func.func @transform_15(%arg0: i32) -> (i32, i32) {
    %c0_i32 = arith.constant 0 : i32
    %c0_i32_0 = arith.constant 0 : i32
    %c0_i32_1 = arith.constant 0 : i32
    return %c0_i32, %c0_i32_0 : i32, i32
  }
  func.func @transform_16(%arg0: i32) -> (i32, i32) {
    %c0_i32 = arith.constant 0 : i32
    %c0_i32_0 = arith.constant 0 : i32
    %c0_i32_1 = arith.constant 0 : i32
    return %c0_i32, %c0_i32_0 : i32, i32
  }
  func.func @transform_17(%arg0: i32) -> (i32, i32) {
    %c0_i32 = arith.constant 0 : i32
    %c0_i32_0 = arith.constant 0 : i32
    %c0_i32_1 = arith.constant 0 : i32
    return %c0_i32, %c0_i32_0 : i32, i32
  }
}

</mosaic_0001>

<sc_bundles>
// kernel: kernel.4.cloned.1.call-start
scs
__scs_entry_jumppad:
0x0: {  	(pc) =	sbr.rel $0x88, $3  }
0x1: {  	(tag) =	ssettag $0x0;
	lr =	simm.s32 $0x1  }
0x2: {  	[smem:$0x3F95] =	sst lr;
	_ =	strace $0xD0000000  }
0x3: {  	_ = 	snop  }
0x4: {  	_ = 	snop  }
0x5: {  	_ = 	snop  }
0x6: {  	_ = 	snop  }
0x7: {  	_ = 	snop  }
__scs_overlays_trampoline_lowered:
0x8: {  	[smem:$0x3FA4] =	sst s0  }
0x9: {  	[smem:$0x3FA5] =	sst s1  }
0xa: {  	[smem:$0x3FA6] =	sst s2  }
0xb: {  	[smem:$0x3FA7] =	sst s3  }
0xc: {  	[smem:$0x3FA8] =	sst s4  }
0xd: {  	[smem:$0x3FA9] =	sst s5  }
0xe: {  	[smem:$0x3FAA] =	sst s6  }
0xf: {  	[smem:$0x3FAB] =	sst s7  }
0x10: {  	[smem:$0x3FAC] =	sst s8  }
0x11: {  	[smem:$0x3FAD] =	sst s9;
	s0 =	simm.s32 @!p0 $0x0  }
0x12: {  	s1 =	sld [smem:$0x3F93];
	s0 =	simm.s32 @p0 $0x1  }
0x13: {  	[smem:$0x3FAE] =	sst s0;
	s0 =	simm.s32 @!p1 $0x0  }
0x14: {  	s2 =	sld [smem:$0x3F92];
	s0 =	simm.s32 @p1 $0x1  }
0x15: {  	[smem:$0x3FAF] =	sst s0;
	s0 =	simm.s32 @!p2 $0x0  }
0x16: {  	s3 =	sld [smem:$0x3FDB];
	s0 =	simm.s32 @p2 $0x1  }
0x17: {  	s4 =	simm.s32 $0x1BF5;
	[smem:$0x3FB1] =	sst s0  }
0x18: {  	s0 =	sld [smem:$0x3F94];
	_ =	swait.ge [sflag:s4], $0x0  }
0x19: {  	s7 =	sld [smem:$0x3F95]  }
0x1a: {  	s8 =	sadd.s32 $0xFFFFE003, lr  }
0x1b: {  	s9 =	sadd.s32 $0xFFFFFEF7, lr;
	s5 =	simm.s32 $0xFFFFFFFF;
	p2 =	slt.u32 s8, $0xFFFFF086  }
0x1c: {  	p1 =	slt.u32 s9, $0xF7A;
	s5 =	simm.s32 @!p2 $0x0  }
0x1d: {  	s5 =	simm.s32 @p1 $0x1;
	p0 =	seq.s32 s7, s2  }
0x1e: {  	s7 =	smul.u32 @!p0 $0xF7A, s2;
	p2 =	seq.s32 @!p0 s5, $0x0  }
0x1f: {  	s9 =	smul.u32 $0xF7A, s1;
	s8 =	simm.s32 @!p0 $0x1BF5;
	p2 =	por !p2, p0  }
0x20: {  	[sflag:s8] =	ssyncset.s32 @!p0 $0xFFFFF086;
	s6 =	sadd.s32 @!p0 s3, s7;
	s7 =	simm.s32 @!p0 $0x108  }
0x21: {  	s3 =	sadd.s32 s3, s9;
	s6 =	sadd.s32 @!p0 $0x88, s6;
	s7 =	simm.s32 @p2 $0x1082  }
0x22: {  	[simem:s7], [sflag:s8] =	dma.local @!p0 [hbm:s6], $0xF7A  }
0x23: {  	s9 =	sor.u32 $0xD0000000, s2;
	s6 =	simm.s32 $0x108;
	_ =	swait.ge @!p0 [sflag:s8], $0x0  }
0x24: {  	s3 =	sadd.s32 $0x88, s3;
	s6 =	simm.s32 @!p1 $0x1082;
	[sflag:s4] =	ssyncset.s32 $0xFFFFF086  }
0x25: {  	[simem:s6], [sflag:s4] =	dma.local [hbm:s3], $0xF7A  }
0x26: {  	[smem:$0x3F95] =	sst s1;
	(tag) =	ssettag s2;
	_ =	strace s9  }
0x27: {  	s1 =	sld [smem:$0x3FA5]  }
0x28: {  	s2 =	sld [smem:$0x3FA6]  }
0x29: {  	s4 =	sld [smem:$0x3FA8]  }
0x2a: {  	p0 =	seq.s32 s5, $0x0;
	s5 =	sld [smem:$0x3FA9]  }
0x2b: {  	s6 =	sld [smem:$0x3FAA]  }
0x2c: {  	s7 =	sld [smem:$0x3FAB]  }
0x2d: {  	s3 =	simm.s32 $0x108;
	s8 =	sld [smem:$0x3FAC]  }
0x2e: {  	s3 =	simm.s32 @!p0 $0x1082;
	s9 =	sld [smem:$0x3FAD]  }
0x2f: {  	lr =	sadd.s32 s0, s3;
	s0 =	sld [smem:$0x3FA4]  }
0x30: {  	s3 =	sld [smem:$0x3FA7]  }
0x31: {  	[smem:$0x3FB0] =	sst s10  }
0x32: {  	s10 =	sld [smem:$0x3FAE];
	_ =	sdelay $0x3  }
0x33: {  	p0 =	seq.s32 s10, $0x1;
	s10 =	sld [smem:$0x3FB0];
	_ =	sdelay $0x3  }
0x34: {  	[smem:$0x3FB0] =	sst s10  }
0x35: {  	s10 =	sld [smem:$0x3FAF];
	_ =	sdelay $0x3  }
0x36: {  	p1 =	seq.s32 s10, $0x1;
	s10 =	sld [smem:$0x3FB0];
	_ =	sdelay $0x3  }
0x37: {  	[smem:$0x3FB0] =	sst s10  }
0x38: {  	s10 =	sld [smem:$0x3FB1]  }
0x39: {  	_ = 	snop;
	(pc) =	sbr.ind lr, $3  }
0x3a: {  	_ = 	snop  }
0x3b: {  	_ = 	snop  }
0x3c: {  	p2 =	seq.s32 s10, $0x1;
	s10 =	sld [smem:$0x3FB0]  }
0x3d: {  	_ =	shalt  }
0x3e: {  	_ =	shalt  }
0x3f: {  	_ =	shalt  }
0x40: {  	_ =	shalt  }
0x41: {  	_ =	shalt  }
0x42: {  	_ =	shalt  }
0x43: {  	_ =	shalt  }
0x44: {  	_ =	shalt  }
0x45: {  	_ =	shalt  }
0x46: {  	_ =	shalt  }
0x47: {  	_ =	shalt  }
0x48: {  	_ =	shalt  }
0x49: {  	_ =	shalt  }
0x4a: {  	_ =	shalt  }
0x4b: {  	_ =	shalt  }
0x4c: {  	_ =	shalt  }
0x4d: {  	_ =	shalt  }
0x4e: {  	_ =	shalt  }
0x4f: {  	_ =	shalt  }
0x50: {  	_ =	shalt  }
0x51: {  	_ =	shalt  }
0x52: {  	_ =	shalt  }
0x53: {  	_ =	shalt  }
0x54: {  	_ =	shalt  }
0x55: {  	_ =	shalt  }
0x56: {  	_ =	shalt  }
0x57: {  	_ =	shalt  }
0x58: {  	_ =	shalt  }
0x59: {  	_ =	shalt  }
0x5a: {  	_ =	shalt  }
0x5b: {  	_ =	shalt  }
0x5c: {  	_ =	shalt  }
0x5d: {  	_ =	shalt  }
0x5e: {  	_ =	shalt  }
0x5f: {  	_ =	shalt  }
0x60: {  	_ =	shalt  }
0x61: {  	_ =	shalt  }
0x62: {  	_ =	shalt  }
0x63: {  	_ =	shalt  }
0x64: {  	_ =	shalt  }
0x65: {  	_ =	shalt  }
0x66: {  	_ =	shalt  }
0x67: {  	_ =	shalt  }
0x68: {  	_ =	shalt  }
0x69: {  	_ =	shalt  }
0x6a: {  	_ =	shalt  }
0x6b: {  	_ =	shalt  }
0x6c: {  	_ =	shalt  }
0x6d: {  	_ =	shalt  }
0x6e: {  	_ =	shalt  }
0x6f: {  	_ =	shalt  }
0x70: {  	_ =	shalt  }
0x71: {  	_ =	shalt  }
0x72: {  	_ =	shalt  }
0x73: {  	_ =	shalt  }
0x74: {  	_ =	shalt  }
0x75: {  	_ =	shalt  }
0x76: {  	_ =	shalt  }
0x77: {  	_ =	shalt  }
0x78: {  	_ =	shalt  }
0x79: {  	_ =	shalt  }
0x7a: {  	_ =	shalt  }
0x7b: {  	_ =	shalt  }
0x7c: {  	_ =	shalt  }
0x7d: {  	_ =	shalt  }
0x7e: {  	_ =	shalt  }
0x7f: {  	_ =	shalt  }
0x80: {  	_ =	shalt  }
0x81: {  	_ =	shalt  }
0x82: {  	_ =	shalt  }
0x83: {  	_ =	shalt  }
0x84: {  	_ =	shalt  }
0x85: {  	_ =	shalt  }
0x86: {  	_ =	shalt  }
0x87: {  	_ =	shalt  }
.Lfunc_end0:
.L_simem_size_0:
called_computation_lowered:
.L_overlay_start_0:
0x88: {  	s2 =	sld [smem:$0x3FD9]  }
0x89: {  	s3 =	sld [smem:$0x3FFE];
	_ =	sdelay $0x1  }
0x8a: {  	s1 =	srdreg.scid  }
0x8b: {  	s0 =	sand.u32 $0x1, s1  }
0x8c: {  	s16 =	sshll.u32 s0, $0xA;
	s2 =	sadd.s32 s3, s2  }
0x8d: {  	s2 =	sadd.s32 s2, s16  }
0x8e: {  	[smem:$0x3FBC] =	sst s2  }
0x8f: {  	_ = 	snop  }
0x90: {  	(tm) =	ssettm $0x1  }
0x91: {  	s17 =	sld [smem:$0x3FFB];
	_ =	sdelay $0x3  }
0x92: {  	_ =	strace s17  }
0x93: {  	s2 =	sld [smem:$0x3FFC];
	_ =	sdelay $0x3  }
0x94: {  	_ =	strace s2  }
0x95: {  	s2 =	sld [smem:$0x3FFD];
	_ =	sdelay $0x3  }
0x96: {  	_ =	strace s2  }
0x97: {  	_ =	strace $0x8FFFFFFF  }
0x98: {  	s18 =	sld [smem:$0x3FDB];
	_ =	sdelay $0x1  }
0x99: {  	s19 =	simm.s32 $_scs_section_size  }
0x9a: {  	s4 =	simm.s32 $_size__tile_overlayer_lowered;
	s5 =	simm.s32 $_tile_overlayer_lowered  }
0x9b: {  	s22 =	simm.s32 $0x1BFF;
	s21 =	sshll.u32 s5, $0x1;
	s2 =	sadd.s32 s19, s18  }
0x9c: {  	s6 =	simm.s32 $0x0;
	s20 =	sshll.u32 s4, $0x1;
	s4 =	sadd.s32 s21, s2  }
0x9d: {  	[timem:s6], [sflag:s22] =	dma.local [hbm:s4], s20  }
0x9e: {  	_ =	swait.ge [sflag:s22], s20  }
0x9f: {  	s3 =	ssub.s32 $0x0, s20;
	[sflag:s22] =	ssyncset.done $0x0  }
0xa0: {  	[sflag:s22] =	ssyncadd.s32 s3;
	_ =	sdelay $0x1  }
0xa1: {  	s23 =	simm.s32 $0x1B8B  }
0xa2: {  	_ =	swait.ge [sflag:s23], $0x1  }
0xa3: {  	[sflag:s23] =	ssyncset.done $0x0  }
0xa4: {  	s25 =	simm.s32 $0x1B8E;
	s24 =	sld [smem:$0x3FFE];
	[sflag:s23] =	ssyncadd.s32 $0xFFFFFFFF  }
0xa5: {  	s26 =	simm.s32 $execute0_lowered;
	[smem:$0x3FD2] =	sst s25  }
0xa6: {  	s4 =	sshll.u32 s26, $0x1;
	_ =	strace $0x80000046;
	[dreg:$0x1] =	wrdreg $0xFFFFFFFF  }
0xa7: {  	s28 =	simm.s32 $_size_execute0_lowered;
	s2 =	sadd.s32 s2, s4;
	[dreg:$0x0] =	wrdreg $0x0  }
0xa8: {  	s4 =	sshll.u32 s28, $0x1;
	[dreg:$0x2] =	wrdreg s2  }
0xa9: {  	[dreg:$0x3] =	wrdreg s4  }
0xaa: {  	[dreg:$0x4] =	wrdreg $0xC0  }
0xab: {  	_ =	task [dreg:s6], $0x5FFFF  }
0xac: {  	[dreg:$0x1] =	wrdreg $0xFFFFFFFF  }
0xad: {  	[dreg:$0x0] =	wrdreg $0x60  }
0xae: {  	[dreg:$0x2] =	wrdreg s24  }
0xaf: {  	[dreg:$0x3] =	wrdreg $0x1F8000  }
0xb0: {  	[dreg:$0x4] =	wrdreg $0x9  }
0xb1: {  	_ =	task.clear_ibuf [dreg:s6], $0x5FFFF;
	_ =	strace $0x90000046  }
0xb2: {  	s29 =	simm.s32 $0x9;
	_ =	strace $0x80000048  }
0xb3: {  	_ =	swait.ge [sflag:s29], $0x1  }
0xb4: {  	[sflag:s29] =	ssyncadd.s32 $0xFFFFFFFF  }
0xb5: {  	_ =	strace $0x90000048  }
0xb6: {  	_ =	sfence  }
0xb7: {  	s30 =	sld [smem:$0x0];
	_ =	sdelay $0x2  }
0xb8: {  	s31 =	sshll.u32 s1, $0xD;
	s1 =	sshrl.u32 s1, $0x2  }
0xb9: {  	s3 =	sand.u32 $0x4000, s31;
	s1 =	sadd.s32 s1, s30  }
0xba: {  	s0 =	sor.u32 s3, s0;
	s1 =	sshll.u32 s1, $0x11  }
0xbb: {  	s0 =	sor.u32 s1, s0  }
0xbc: {  	s0 =	sadd.s32 $0x8F2B, s0  }
0xbd: {  	[sflag:s0] =	ssyncadd.remote.s32 $0x1  }
0xbe: {  	_ =	sfence.sel $0xFFFF  }
0xbf: {  	[dreg:$0x0] =	wrdreg $0xFFFFFFFF;
	(pc) =	sbr.abs _section_cstart, $3  }
0xc0: {  	[dreg:$0x1] =	wrdreg $0xFFFFFFFF  }
0xc1: {  	_ =	task.clear_ibuf [dreg:s6], $0x2FFFF;
	_ =	strace $0x9FFFFFFF  }
0xc2: {  	(tm) =	ssettm $0x7FFFFFFF  }
0xc3: {  	_ =	shalt  }
tec
execute0_lowered:
.L_overlay_start_1:
0x0: {  	(tag) =	ssettag $0x1  }
0x1: {  	s4 =	rddreg [dreg:$0x0];
	s0 =	srdreg.scid  }
0x2: {  	s18 =	stileid.u32;
	s1 =	rddreg [dreg:$0x1]  }
0x3: {  	s2 =	simm.s32 $0x0;
	s17 =	simm.s32 $0x1;
	s19 =	simm.s32 $0x1F400  }
0x4: {  	s20 =	simm.s32 $0x0;
	s3 =	sand.u32 $0x1, s0;
	s0 =	rddreg [dreg:$0x2]  }
0x5: {  	s5 =	sshll.u32 s18, $0x1;
	[smem:$0x7FF] =	sst s2;
	p0 =	sne.s32 s18, $0x0  }
0x6: {  	v0 =	vmov s18;
	s18 =	simm.s32 $0x3E8;
	s5 =	sor.u32 s3, s5;
	_ =	strace $0x80000047  }
0x7: {  	s6 =	ssub.s32 $0x2, s3;
	s30 =	sshll.u32 s3, $0x8;
	s5 =	smul.u32 $0x27100, s5  }
0x8: {  	s3 =	sadd.s32 $0x4E3A00, s4;
	s16 =	sshrl.u32 @!p0 s1, $0x3;
	s7 =	sshrl.u32 s6, $0x1  }
0x9: {  	s31 =	ssub.s32 s6, s7;
	s15 =	sadd.s32 s5, s4;
	s4 =	sadd.s32 s30, s4  }
0xa: {  	s5 =	smax.u32 s31, $0x1;
	s4 =	sadd.s32 $0x4E3C00, s4;
	s6 =	sadd.s32 $0x1A00, s15  }
0xb: {  	s7 =	sadd.s32 $0x5880, s15;
	s8 =	sadd.s32 $0x9700, s15;
	s9 =	sadd.s32 $0xD580, s15  }
0xc: {  	s10 =	sadd.s32 $0x11400, s15;
	s11 =	sadd.s32 $0x15280, s15;
	s12 =	sadd.s32 $0x19100, s15  }
0xd: {  	s13 =	sadd.s32 $0x1CF80, s15;
	s14 =	sadd.s32 $0x20E00, s15;
	s15 =	sadd.s32 $0x24C80, s15  }
.LBB2_1:
0xe: {  	s21 =	simm.s32 $0x40;
	s22 =	simm.s32 $0x0  }
.LBB2_2:
0xf: {  	p1 =	sne.s32 s21, $0xF40;
	[tilespmem:s22+$0x1F400] =	vst v0;
	s22 =	smov.u32 s21;
	s21 =	sadd.s32 $0x40, s21  }
.Ltmp0:
0x10: {  	(pc) =	sbr.rel @p1 .LBB2_2-.Ltmp0, $2  }
0x11: {  	_ =	sdelay $0x2  }
0x12: {  	s22 =	sshra.s32 s22, $0x2  }
0x13: {  	[tilespmem:s22+$0x1F400] =	vst v0  }
0x14: {  	s22 =	simm.s32 @!p0 $0x1C01;
	s21 =	simm.s32 @!p0 $0x1;
	[tilespmem:$0x1F7D8] =	vst v0  }
0x15: {  	[spmem:s16], [sflag:s22] =	dma.local @!p0 [hbm:s3], $0x100  }
0x16: {  	_ =	swait.ge @!p0 [sflag:s21], $0x100  }
0x17: {  	[sflag:s21] =	ssyncset.done @!p0 $0x0  }
0x18: {  	[sflag:s21] =	ssyncadd.s32 @!p0 $0xFFFFFF00  }
0x19: {  	[bflag:$0x0] =	sbarrier.arrive $0xFFFF  }
0x1a: {  	[tilespmem:s2], [sflag:$0x1] =	stream.linear.gather [hbm4b:s6+s2], $0x1F400, $0x38;
	[tilespmem:$0x1F810] =	vst v63  }
0x1b: {  	_ =	swait.ge [sflag:s17], $0x1F400  }
0x1c: {  	[sflag:s17] =	ssyncset.done $0x0  }
0x1d: {  	[sflag:s17] =	ssyncadd.s32 $0xFFFE0C00  }
0x1e: {  	[spmem:s1] =	stream.indirect.scatter.add.f32 [tilespmem:s2], [sflag:$0x1], $0x9, s19, s18, $0xb8;
	[tilespmem:$0x1F810] =	vst v63  }
0x1f: {  	_ =	swait.ge [sflag:s17], $0x2328  }
0x20: {  	[sflag:s17] =	ssyncset.done $0x0  }
0x21: {  	[sflag:s17] =	ssyncadd.s32 $0xFFFFDCD8  }
0x22: {  	[tilespmem:s2], [sflag:$0x1] =	stream.linear.gather [hbm4b:s7+s2], $0x1F400, $0x38;
	[tilespmem:$0x1F810] =	vst v63  }
0x23: {  	_ =	swait.ge [sflag:s17], $0x1F400  }
0x24: {  	[sflag:s17] =	ssyncset.done $0x0  }
0x25: {  	[sflag:s17] =	ssyncadd.s32 $0xFFFE0C00  }
0x26: {  	[spmem:s1] =	stream.indirect.scatter.add.f32 [tilespmem:s2], [sflag:$0x1], $0x9, s19, s18, $0xb8;
	[tilespmem:$0x1F810] =	vst v63  }
0x27: {  	_ =	swait.ge [sflag:s17], $0x2328  }
0x28: {  	[sflag:s17] =	ssyncset.done $0x0  }
0x29: {  	[sflag:s17] =	ssyncadd.s32 $0xFFFFDCD8  }
0x2a: {  	[tilespmem:s2], [sflag:$0x1] =	stream.linear.gather [hbm4b:s8+s2], $0x1F400, $0x38;
	[tilespmem:$0x1F810] =	vst v63  }
0x2b: {  	_ =	swait.ge [sflag:s17], $0x1F400  }
0x2c: {  	[sflag:s17] =	ssyncset.done $0x0  }
0x2d: {  	[sflag:s17] =	ssyncadd.s32 $0xFFFE0C00  }
0x2e: {  	[spmem:s1] =	stream.indirect.scatter.add.f32 [tilespmem:s2], [sflag:$0x1], $0x9, s19, s18, $0xb8;
	[tilespmem:$0x1F810] =	vst v63  }
0x2f: {  	_ =	swait.ge [sflag:s17], $0x2328  }
0x30: {  	[sflag:s17] =	ssyncset.done $0x0  }
0x31: {  	[sflag:s17] =	ssyncadd.s32 $0xFFFFDCD8  }
0x32: {  	[tilespmem:s2], [sflag:$0x1] =	stream.linear.gather [hbm4b:s9+s2], $0x1F400, $0x38;
	[tilespmem:$0x1F810] =	vst v63  }
0x33: {  	_ =	swait.ge [sflag:s17], $0x1F400  }
0x34: {  	[sflag:s17] =	ssyncset.done $0x0  }
0x35: {  	[sflag:s17] =	ssyncadd.s32 $0xFFFE0C00  }
0x36: {  	[spmem:s1] =	stream.indirect.scatter.add.f32 [tilespmem:s2], [sflag:$0x1], $0x9, s19, s18, $0xb8;
	[tilespmem:$0x1F810] =	vst v63  }
0x37: {  	_ =	swait.ge [sflag:s17], $0x2328  }
0x38: {  	[sflag:s17] =	ssyncset.done $0x0  }
0x39: {  	[sflag:s17] =	ssyncadd.s32 $0xFFFFDCD8  }
0x3a: {  	[tilespmem:s2], [sflag:$0x1] =	stream.linear.gather [hbm4b:s10+s2], $0x1F400, $0x38;
	[tilespmem:$0x1F810] =	vst v63  }
0x3b: {  	_ =	swait.ge [sflag:s17], $0x1F400  }
0x3c: {  	[sflag:s17] =	ssyncset.done $0x0  }
0x3d: {  	[sflag:s17] =	ssyncadd.s32 $0xFFFE0C00  }
0x3e: {  	[spmem:s1] =	stream.indirect.scatter.add.f32 [tilespmem:s2], [sflag:$0x1], $0x9, s19, s18, $0xb8;
	[tilespmem:$0x1F810] =	vst v63  }
0x3f: {  	_ =	swait.ge [sflag:s17], $0x2328  }
0x40: {  	[sflag:s17] =	ssyncset.done $0x0  }
0x41: {  	[sflag:s17] =	ssyncadd.s32 $0xFFFFDCD8  }
0x42: {  	[tilespmem:s2], [sflag:$0x1] =	stream.linear.gather [hbm4b:s11+s2], $0x1F400, $0x38;
	[tilespmem:$0x1F810] =	vst v63  }
0x43: {  	_ =	swait.ge [sflag:s17], $0x1F400  }
0x44: {  	[sflag:s17] =	ssyncset.done $0x0  }
0x45: {  	[sflag:s17] =	ssyncadd.s32 $0xFFFE0C00  }
0x46: {  	[spmem:s1] =	stream.indirect.scatter.add.f32 [tilespmem:s2], [sflag:$0x1], $0x9, s19, s18, $0xb8;
	[tilespmem:$0x1F810] =	vst v63  }
0x47: {  	_ =	swait.ge [sflag:s17], $0x2328  }
0x48: {  	[sflag:s17] =	ssyncset.done $0x0  }
0x49: {  	[sflag:s17] =	ssyncadd.s32 $0xFFFFDCD8  }
0x4a: {  	[tilespmem:s2], [sflag:$0x1] =	stream.linear.gather [hbm4b:s12+s2], $0x1F400, $0x38;
	[tilespmem:$0x1F810] =	vst v63  }
0x4b: {  	_ =	swait.ge [sflag:s17], $0x1F400  }
0x4c: {  	[sflag:s17] =	ssyncset.done $0x0  }
0x4d: {  	[sflag:s17] =	ssyncadd.s32 $0xFFFE0C00  }
0x4e: {  	[spmem:s1] =	stream.indirect.scatter.add.f32 [tilespmem:s2], [sflag:$0x1], $0x9, s19, s18, $0xb8;
	[tilespmem:$0x1F810] =	vst v63  }
0x4f: {  	_ =	swait.ge [sflag:s17], $0x2328  }
0x50: {  	[sflag:s17] =	ssyncset.done $0x0  }
0x51: {  	[sflag:s17] =	ssyncadd.s32 $0xFFFFDCD8  }
0x52: {  	[tilespmem:s2], [sflag:$0x1] =	stream.linear.gather [hbm4b:s13+s2], $0x1F400, $0x38;
	[tilespmem:$0x1F810] =	vst v63  }
0x53: {  	_ =	swait.ge [sflag:s17], $0x1F400  }
0x54: {  	[sflag:s17] =	ssyncset.done $0x0  }
0x55: {  	[sflag:s17] =	ssyncadd.s32 $0xFFFE0C00  }
0x56: {  	[spmem:s1] =	stream.indirect.scatter.add.f32 [tilespmem:s2], [sflag:$0x1], $0x9, s19, s18, $0xb8;
	[tilespmem:$0x1F810] =	vst v63  }
0x57: {  	_ =	swait.ge [sflag:s17], $0x2328  }
0x58: {  	[sflag:s17] =	ssyncset.done $0x0  }
0x59: {  	[sflag:s17] =	ssyncadd.s32 $0xFFFFDCD8  }
0x5a: {  	[tilespmem:s2], [sflag:$0x1] =	stream.linear.gather [hbm4b:s14+s2], $0x1F400, $0x38;
	[tilespmem:$0x1F810] =	vst v63  }
0x5b: {  	_ =	swait.ge [sflag:s17], $0x1F400  }
0x5c: {  	[sflag:s17] =	ssyncset.done $0x0  }
0x5d: {  	[sflag:s17] =	ssyncadd.s32 $0xFFFE0C00  }
0x5e: {  	[spmem:s1] =	stream.indirect.scatter.add.f32 [tilespmem:s2], [sflag:$0x1], $0x9, s19, s18, $0xb8;
	[tilespmem:$0x1F810] =	vst v63  }
0x5f: {  	_ =	swait.ge [sflag:s17], $0x2328  }
0x60: {  	[sflag:s17] =	ssyncset.done $0x0  }
0x61: {  	[sflag:s17] =	ssyncadd.s32 $0xFFFFDCD8  }
0x62: {  	[tilespmem:s2], [sflag:$0x1] =	stream.linear.gather [hbm4b:s15+s2], $0x1F400, $0x38;
	[tilespmem:$0x1F810] =	vst v63  }
0x63: {  	_ =	swait.ge [sflag:s17], $0x1F400  }
0x64: {  	[sflag:s17] =	ssyncset.done $0x0  }
0x65: {  	[sflag:s17] =	ssyncadd.s32 $0xFFFE0C00  }
0x66: {  	[spmem:s1] =	stream.indirect.scatter.add.f32 [tilespmem:s2], [sflag:$0x1], $0x9, s19, s18, $0xb8;
	[tilespmem:$0x1F810] =	vst v63  }
0x67: {  	_ =	swait.ge [sflag:s17], $0x2328  }
0x68: {  	s20 =	sadd.s32 $0x1, s20;
	[sflag:s17] =	ssyncset.done $0x0  }
0x69: {  	p1 =	sne.s32 s20, s5;
	[sflag:s17] =	ssyncadd.s32 $0xFFFFDCD8  }
.Ltmp1:
0x6a: {  	[bflag:$0x0] =	sbarrier.arrive $0xFFFF;
	(pc) =	sbr.rel @p1 .LBB2_1-.Ltmp1, $4  }
0x6b: {  	[hbm:s4], [sflag:s22] =	dma.local @!p0 [spmem:s16], $0x100  }
0x6c: {  	_ =	swait.ge @!p0 [sflag:s21], $0x100  }
0x6d: {  	[sflag:s21] =	ssyncset.done @!p0 $0x0  }
0x6e: {  	[sflag:s21] =	ssyncadd.s32 @!p0 $0xFFFFFF00  }
0x6f: {  	_ =	sfence.sel $0x180000  }
0x70: {  	[bflag:$0x0] =	sbarrier.arrive $0xFFFF  }
0x71: {  	_ =	strace $0x90000047  }
0x72: {  	s0 =	sadd.s32 @!p0 $0x100000, s0;
	[bflag:$0x2] =	sbarrier.arrive $0xFFFF  }
0x73: {  	[sflag:s0] =	ssyncadd.tile.s32 @!p0 $0x1;
	_ =	shalt  }
.Lfunc_end2:
_tile_overlayer_lowered:
.L_overlay_start_2:
0x74: {  	(tag) =	ssettag $0x2  }
0x75: {  	s0 =	rddreg [dreg:$0x0];
	s2 =	stileid.u32  }
0x76: {  	s1 =	rddreg [dreg:$0x1];
	p0 =	sne.s32 s2, $0x0  }
0x77: {  	s3 =	rddreg [dreg:$0x2];
	[bflag:$0x3] =	sbarrier.arrive $0xFFFF;
	s2 =	simm.s32 @!p0 $0x1C01  }
0x78: {  	[timem:s3], [sflag:s2] =	dma.local @!p0 [hbm:s0], s1  }
0x79: {  	s0 =	simm.s32 @!p0 $0x1  }
0x7a: {  	_ =	swait.ge @!p0 [sflag:s0], s1  }
0x7b: {  	s1 =	ssub.s32 @!p0 $0x0, s1;
	[sflag:s0] =	ssyncset.done @!p0 $0x0  }
0x7c: {  	[sflag:s0] =	ssyncadd.s32 @!p0 s1  }
0x7d: {  	[bflag:$0x3] =	sbarrier.arrive $0xFFFF  }
0x7e: {  	_ =	shalt  }

</sc_bundles>
